<compile_context>
chip_gen: v7x
topology: tpu7x:2x2x1
jax: 0.10.2.dev20260603
libtpu: 0.0.44.dev20260713+nightly
codegen_flags: <defaults>
</compile_context>

<pallas_src>
import functools

import jax
import jax.numpy as jnp
from jax import lax
from jax.experimental import pallas as pl
from jax.experimental.pallas import tpu as pltpu
from jax.experimental.pallas import tpu_sc as plsc

_EPS = 1e-06

_NC = 2
_NS = 16
_NW = _NC * _NS

_N_SLICES = 8
_N_RANGES = _NW // _N_SLICES


def _precompute_body(n_ranges, n_slices, vs, emb_ref, scale_ref, w_ref,
                     ids_ref, out_ref, cnt_ref):
    x = emb_ref[...]
    var = jnp.mean(x * x, axis=-1, keepdims=True)
    y = x * lax.rsqrt(var + _EPS) * scale_ref[...]
    z = jnp.dot(y, w_ref[...], preferred_element_type=jnp.float32)
    var2 = jnp.mean(z * z, axis=-1, keepdims=True)
    out_ref[...] = z * lax.rsqrt(var2 + _EPS)
    ids = ids_ref[...]
    coli = lax.broadcasted_iota(jnp.int32, (1, 128), 1)
    acc = jnp.zeros((1, 128), jnp.int32)
    for r in range(n_ranges):
        row = ids[r]
        for s in range(n_slices):
            c = jnp.sum(((row >= s * vs) & (row < (s + 1) * vs))
                        .astype(jnp.int32))
            acc = acc + jnp.where(coli == r * n_slices + s, c, 0)
    cnt_ref[...] = acc


def _precompute_table(emb_table, scale2d, proj_w, ids2d):
    v, _ = emb_table.shape
    f = proj_w.shape[1]
    body = functools.partial(
        _precompute_body, _N_RANGES, _N_SLICES, v // _N_SLICES
    )
    return pl.pallas_call(
        body,
        out_shape=[
            jax.ShapeDtypeStruct((v, f), jnp.float32),
            jax.ShapeDtypeStruct((1, 128), jnp.int32),
        ],
    )(emb_table, scale2d, proj_w, ids2d)


@functools.lru_cache(maxsize=None)
def _make_broadcast_write(b, v, d):
    n_slices = _N_SLICES
    n_ranges = _N_RANGES
    vs = v // n_slices
    tr = b // n_ranges
    grp = tr // 16
    mesh = plsc.VectorSubcoreMesh(core_axis_name="c", subcore_axis_name="s")

    @functools.partial(
        pl.kernel,
        mesh=mesh,
        out_type=jax.ShapeDtypeStruct((b, d), jnp.float32),
        scratch_types=[
            pltpu.VMEM((tr,), jnp.int32),
            pltpu.VMEM((vs, d), jnp.float32),
            pltpu.VMEM((48,), jnp.int32),
            pltpu.SemaphoreType.DMA,
        ],
    )
    def bw_kernel(ids_hbm, tab_hbm, cnt_hbm, out_hbm, ids_v, tab_v, cnt_v,
                  sem):
        wid = lax.axis_index("s") * _NC + lax.axis_index("c")
        slice_id = wid % n_slices
        range_id = wid // n_slices
        v0 = slice_id * vs
        t0 = range_id * tr
        pltpu.sync_copy(tab_hbm.at[pl.ds(v0, vs)], tab_v)
        pltpu.sync_copy(ids_hbm.at[pl.ds(t0, tr)], ids_v)
        pltpu.sync_copy(cnt_hbm.at[pl.ds(0, 48)], cnt_v)
        n_issued = cnt_v[pl.ds(wid, 16)][0]

        def scan(g, z):
            ids16 = ids_v[pl.ds(g * 16, 16)]
            rows16 = ids16 - v0
            mask = (ids16 >= v0) & (ids16 < v0 + vs)
            enc16 = jnp.where(mask, rows16, -1)
            gbase = t0 + g * 16
            for q in range(0, 16, 4):
                e4 = [enc16[q + i] for i in range(4)]
                any_hit = e4[0] & e4[1] & e4[2] & e4[3]

                @pl.when(any_hit >= 0)
                def _(q=q, e4=e4):
                    for i in range(4):
                        e = e4[i]

                        @pl.when(e >= 0)
                        def _(e=e, l=q + i):
                            pltpu.async_copy(
                                tab_v.at[pl.ds(e, 1)],
                                out_hbm.at[pl.ds(gbase + l, 1)],
                                sem,
                            )

            return z

        lax.fori_loop(0, grp, scan, jnp.int32(0))

        def drain(_, carry):
            pltpu.make_async_copy(
                out_hbm.at[pl.ds(t0, 1)], tab_v.at[pl.ds(0, 1)], sem
            ).wait()
            return carry

        lax.fori_loop(0, n_issued, drain, jnp.int32(0))

    return bw_kernel


def kernel(input_ids, emb_table, hard_norm_scale, proj_w):
    bsz, seq = input_ids.shape
    f = proj_w.shape[1]
    ids = input_ids.reshape(-1).astype(jnp.int32)
    ptab, cnt = _precompute_table(
        emb_table, hard_norm_scale.reshape(1, -1), proj_w,
        ids.reshape(_N_RANGES, -1),
    )
    out = _make_broadcast_write(bsz * seq, emb_table.shape[0], f)(
        ids, ptab, cnt.reshape(-1)
    )
    return out.reshape(bsz, seq, f)

# --- scband reference (transcript-rebuilt; emitter-appended) ---
"""Pipeline reference for scband-gemma3n-multimodal-embedder-10728828305712 (READ-ONLY COPY).

The authoritative reference and input builder live on the scoring server;
editing this copy changes nothing except your own understanding.
"""

import jax, jax.numpy as jnp
import numpy as np

MM_H = 2048
TXT_H = 2048
VOCAB = 256
VOCAB_OFFSET = 0
EPS = 1e-06


def rms_norm(x, scale=None, eps=EPS):
    var = jnp.mean(jnp.square(x), axis=-1, keepdims=True)
    y = x * jax.lax.rsqrt(var + eps)
    if scale is not None:
        y = y * scale
    return y


def setup_inputs(seed: int = 0) -> dict:
    key = jax.random.key(seed)
    k1, k2, k3 = jax.random.split(key, 3)
    input_ids = jax.random.randint(k1, (64, 256), 0, 256, dtype=jnp.int64) if jax.config.jax_enable_x64 else jax.random.randint(k1, (64, 256), 0, 256, dtype=jnp.int32)
    emb_table = jax.random.normal(k2, (VOCAB, MM_H), dtype=jnp.float32) * 0.02
    hard_norm_scale = jnp.ones((MM_H,), dtype=jnp.float32)
    proj_w = jax.random.normal(k3, (MM_H, TXT_H), dtype=jnp.float32) * 0.02
    return {"input_ids": input_ids, "emb_table": emb_table, "hard_norm_scale": hard_norm_scale, "proj_w": proj_w}


def reference(input_ids, emb_table, hard_norm_scale, proj_w):
    # hard path: embedding lookup for multimodal special tokens
    local_ids = input_ids - VOCAB_OFFSET
    hard_emb = jnp.take(emb_table, local_ids, axis=0)
    emb_norm = rms_norm(hard_emb, hard_norm_scale)
    emb_norm_proj = jnp.einsum('bld,df->blf', emb_norm, proj_w)
    final_embeds = rms_norm(emb_norm_proj, None)  # post-projection norm has scale=False
    return final_embeds

if __name__ == "__main__":
    import jax
    _d = setup_inputs()
    print(jax.jit(kernel)(*tuple(_d.values())))

</pallas_src>

<mosaic_0001>
#map = affine_map<(d0, d1) -> (0)>
#map1 = affine_map<(d0, d1) -> (0, 0)>
module attributes {stable_mosaic.version = 14 : i64} {
  func.func @bw_kernel(%arg0: i32, %arg1: i32, %arg2: memref<16384xi32, #tpu.memory_space<hbm>>, %arg3: memref<256x2048xf32, #tpu.memory_space<hbm>>, %arg4: memref<128xi32, #tpu.memory_space<hbm>>, %arg5: memref<16384x2048xf32, #tpu.memory_space<hbm>>, %arg6: memref<4096xi32, #tpu.memory_space<vmem>>, %arg7: memref<32x2048xf32, #tpu.memory_space<vmem>>, %arg8: memref<48xi32, #tpu.memory_space<vmem>>, %arg9: memref<!tpu.dma_semaphore, #tpu.memory_space<semaphore_mem>>) attributes {dimension_semantics = [#tpu.dimension_semantics<core_parallel>, #tpu.dimension_semantics<subcore_parallel>], iteration_bounds = array<i64: 2, 16>, scalar_prefetch = 0 : i64, scratch_operands = 4 : i64, tpu.core_type = #tpu.core_type<sc_vector_subcore>, window_params = [{transform_indices = #map}, {transform_indices = #map1}, {transform_indices = #map}, {transform_indices = #map1}]} {
    %mul3A = arith.constant 2 : i32
    %mul3A_0 = arith.muli %arg1, %mul3A : i32
    %add3A = arith.addi %mul3A_0, %arg0 : i32
    %jit3A = arith.constant 8 : i32
    %eq3A = arith.constant 0 : i32
    %eq3A_1 = arith.cmpi eq, %jit3A, %eq3A : i32
    %jit3A_2 = arith.constant 1 : i32
    %select_n3A = arith.select %eq3A_1, %jit3A_2, %jit3A : i32
    %rem3A = arith.remsi %add3A, %select_n3A : i32
    %ne3A = arith.constant 0 : i32
    %ne3A_3 = arith.cmpi ne, %rem3A, %ne3A : i32
    %lt3A = arith.constant 0 : i32
    %lt3A_4 = arith.cmpi slt, %rem3A, %lt3A : i32
    %lt3A_5 = arith.constant 0 : i32
    %lt3A_6 = arith.cmpi slt, %select_n3A, %lt3A_5 : i32
    %ne3A_7 = arith.xori %lt3A_4, %lt3A_6 : i1
    %and3A = arith.andi %ne3A_7, %ne3A_3 : i1
    %add3A_8 = arith.addi %rem3A, %select_n3A : i32
    %select_n3A_9 = arith.select %and3A, %add3A_8, %rem3A : i32
    %jit3A_10 = arith.constant 8 : i32
    %div3A = arith.divsi %add3A, %jit3A_10 : i32
    %sign3A = arith.constant 0 : i32
    %sign3A_11 = arith.cmpi sgt, %add3A, %sign3A : i32
    %sign3A_12 = arith.extui %sign3A_11 : i1 to i32
    %sign3A_13 = arith.constant 0 : i32
    %sign3A_14 = arith.cmpi slt, %add3A, %sign3A_13 : i32
    %sign3A_15 = arith.extui %sign3A_14 : i1 to i32
    %sign3A_16 = arith.subi %sign3A_12, %sign3A_15 : i32
    %sign3A_17 = arith.constant 0 : i32
    %sign3A_18 = arith.cmpi sgt, %jit3A_10, %sign3A_17 : i32
    %sign3A_19 = arith.extui %sign3A_18 : i1 to i32
    %sign3A_20 = arith.constant 0 : i32
    %sign3A_21 = arith.cmpi slt, %jit3A_10, %sign3A_20 : i32
    %sign3A_22 = arith.extui %sign3A_21 : i1 to i32
    %sign3A_23 = arith.subi %sign3A_19, %sign3A_22 : i32
    %ne3A_24 = arith.cmpi ne, %sign3A_16, %sign3A_23 : i32
    %rem3A_25 = arith.remsi %add3A, %jit3A_10 : i32
    %ne3A_26 = arith.constant 0 : i32
    %ne3A_27 = arith.cmpi ne, %rem3A_25, %ne3A_26 : i32
    %and3A_28 = arith.andi %ne3A_24, %ne3A_27 : i1
    %sub3A = arith.constant 1 : i32
    %sub3A_29 = arith.subi %div3A, %sub3A : i32
    %select_n3A_30 = arith.select %and3A_28, %sub3A_29, %div3A : i32
    %mul3A_31 = arith.constant 32 : i32
    %mul3A_32 = arith.muli %select_n3A_9, %mul3A_31 : i32
    %mul3A_33 = arith.constant 4096 : i32
    %mul3A_34 = arith.muli %select_n3A_30, %mul3A_33 : i32
    "tpu.region"() ({
      %run_scoped3A = tpu.sem_alloc : memref<!tpu.dma_semaphore, #tpu.memory_space<semaphore_mem>>
      %dma_start3A = arith.constant 0 : i32
      %dma_start3A_51 = tpu.memref_slice %arg3[%mul3A_32, %dma_start3A] : memref<256x2048xf32, #tpu.memory_space<hbm>> -> memref<32x2048xf32, #tpu.memory_space<hbm>>
      %dma_start3A_52 = arith.constant 0 : i32
      %dma_start3A_53 = tpu.memref_slice %arg3[%mul3A_32, %dma_start3A_52] : memref<256x2048xf32, #tpu.memory_space<hbm>> -> memref<32x2048xf32, #tpu.memory_space<hbm>>
      tpu.enqueue_dma source(%dma_start3A_53 : memref<32x2048xf32, #tpu.memory_space<hbm>>) target(%arg7 : memref<32x2048xf32, #tpu.memory_space<vmem>>) target_semaphore(%run_scoped3A : memref<!tpu.dma_semaphore, #tpu.memory_space<semaphore_mem>>)
      %dma_wait3A = arith.constant 0 : i32
      %dma_wait3A_54 = tpu.memref_slice %arg3[%mul3A_32, %dma_wait3A] : memref<256x2048xf32, #tpu.memory_space<hbm>> -> memref<32x2048xf32, #tpu.memory_space<hbm>>
      %dma_wait3A_55 = arith.constant 0 : i32
      %dma_wait3A_56 = tpu.memref_slice %arg3[%mul3A_32, %dma_wait3A_55] : memref<256x2048xf32, #tpu.memory_space<hbm>> -> memref<32x2048xf32, #tpu.memory_space<hbm>>
      tpu.wait_dma2 semaphore(%run_scoped3A : memref<!tpu.dma_semaphore, #tpu.memory_space<semaphore_mem>>) src(%dma_wait3A_56 : memref<32x2048xf32, #tpu.memory_space<hbm>>) dst(%arg7 : memref<32x2048xf32, #tpu.memory_space<vmem>>)
      tpu.yield
    }) : () -> ()
    "tpu.region"() ({
      %run_scoped3A = tpu.sem_alloc : memref<!tpu.dma_semaphore, #tpu.memory_space<semaphore_mem>>
      %dma_start3A = tpu.memref_slice %arg2[%mul3A_34] : memref<16384xi32, #tpu.memory_space<hbm>> -> memref<4096xi32, #tpu.memory_space<hbm>>
      %dma_start3A_51 = tpu.memref_slice %arg2[%mul3A_34] : memref<16384xi32, #tpu.memory_space<hbm>> -> memref<4096xi32, #tpu.memory_space<hbm>>
      tpu.enqueue_dma source(%dma_start3A_51 : memref<4096xi32, #tpu.memory_space<hbm>>) target(%arg6 : memref<4096xi32, #tpu.memory_space<vmem>>) target_semaphore(%run_scoped3A : memref<!tpu.dma_semaphore, #tpu.memory_space<semaphore_mem>>)
      %dma_wait3A = tpu.memref_slice %arg2[%mul3A_34] : memref<16384xi32, #tpu.memory_space<hbm>> -> memref<4096xi32, #tpu.memory_space<hbm>>
      %dma_wait3A_52 = tpu.memref_slice %arg2[%mul3A_34] : memref<16384xi32, #tpu.memory_space<hbm>> -> memref<4096xi32, #tpu.memory_space<hbm>>
      tpu.wait_dma2 semaphore(%run_scoped3A : memref<!tpu.dma_semaphore, #tpu.memory_space<semaphore_mem>>) src(%dma_wait3A_52 : memref<4096xi32, #tpu.memory_space<hbm>>) dst(%arg6 : memref<4096xi32, #tpu.memory_space<vmem>>)
      tpu.yield
    }) : () -> ()
    "tpu.region"() ({
      %run_scoped3A = tpu.sem_alloc : memref<!tpu.dma_semaphore, #tpu.memory_space<semaphore_mem>>
      %dma_start3A = arith.constant 0 : i32
      %dma_start3A_51 = tpu.memref_slice %arg4[%dma_start3A] : memref<128xi32, #tpu.memory_space<hbm>> -> memref<48xi32, #tpu.memory_space<hbm>>
      %dma_start3A_52 = arith.constant 0 : i32
      %dma_start3A_53 = tpu.memref_slice %arg4[%dma_start3A_52] : memref<128xi32, #tpu.memory_space<hbm>> -> memref<48xi32, #tpu.memory_space<hbm>>
      tpu.enqueue_dma source(%dma_start3A_53 : memref<48xi32, #tpu.memory_space<hbm>>) target(%arg8 : memref<48xi32, #tpu.memory_space<vmem>>) target_semaphore(%run_scoped3A : memref<!tpu.dma_semaphore, #tpu.memory_space<semaphore_mem>>)
      %dma_wait3A = arith.constant 0 : i32
      %dma_wait3A_54 = tpu.memref_slice %arg4[%dma_wait3A] : memref<128xi32, #tpu.memory_space<hbm>> -> memref<48xi32, #tpu.memory_space<hbm>>
      %dma_wait3A_55 = arith.constant 0 : i32
      %dma_wait3A_56 = tpu.memref_slice %arg4[%dma_wait3A_55] : memref<128xi32, #tpu.memory_space<hbm>> -> memref<48xi32, #tpu.memory_space<hbm>>
      tpu.wait_dma2 semaphore(%run_scoped3A : memref<!tpu.dma_semaphore, #tpu.memory_space<semaphore_mem>>) src(%dma_wait3A_56 : memref<48xi32, #tpu.memory_space<hbm>>) dst(%arg8 : memref<48xi32, #tpu.memory_space<vmem>>)
      tpu.yield
    }) : () -> ()
    %get3A = arith.index_cast %add3A : i32 to index
    %get3A_35 = tpu.vector_load %arg8[%get3A] {strides = array<i32>} : memref<48xi32, #tpu.memory_space<vmem>>, vector<16xi32>,
    %get3A_36 = vector.shape_cast %get3A_35 : vector<16xi32> to vector<16xi32>
    %slice3A = vector.extract_strided_slice %get3A_36 {offsets = [0], sizes = [1], strides = [1]} : vector<16xi32> to vector<1xi32>
    %squeeze3A = vector.extract %slice3A[0] : i32 from vector<1xi32>
    %scan3A = arith.constant 0 : i32
    %scan3A_37 = arith.constant 0 : i32
    %scan3A_38 = arith.constant 256 : i32
    %scan3A_39 = arith.addi %scan3A_37, %scan3A_38 : i32
    %scan3A_40 = arith.constant 1 : i32
    scf.for %scan3A_51 = %scan3A_37 to %scan3A_39 step %scan3A_40  : i32 {
      %mul3A_52 = arith.constant 16 : i32
      %mul3A_53 = arith.muli %scan3A_51, %mul3A_52 : i32
      %get3A_54 = arith.index_cast %mul3A_53 : i32 to index
      %get3A_55 = tpu.vector_load %arg6[%get3A_54] {strides = array<i32>} : memref<4096xi32, #tpu.memory_space<vmem>>, vector<16xi32>,
      %get3A_56 = vector.shape_cast %get3A_55 : vector<16xi32> to vector<16xi32>
      %sub3A_57 = vector.broadcast %mul3A_32 : i32 to vector<16xi32>
      %sub3A_58 = arith.subi %get3A_56, %sub3A_57 : vector<16xi32>
      %ge3A = vector.broadcast %mul3A_32 : i32 to vector<16xi32>
      %ge3A_59 = arith.cmpi sge, %get3A_56, %ge3A : vector<16xi32>
      %add3A_60 = arith.constant 32 : i32
      %add3A_61 = arith.addi %mul3A_32, %add3A_60 : i32
      %lt3A_62 = vector.broadcast %add3A_61 : i32 to vector<16xi32>
      %lt3A_63 = arith.cmpi slt, %get3A_56, %lt3A_62 : vector<16xi32>
      %and3A_64 = arith.andi %ge3A_59, %lt3A_63 : vector<16xi1>
      %jit3A_65 = arith.constant -1 : i32
      %broadcast_in_dim3A = vector.broadcast %jit3A_65 : i32 to vector<16xi32>
      %select_n3A_66 = arith.select %and3A_64, %sub3A_58, %broadcast_in_dim3A : vector<16xi1>, vector<16xi32>
      %mul3A_67 = arith.constant 16 : i32
      %mul3A_68 = arith.muli %scan3A_51, %mul3A_67 : i32
      %add3A_69 = arith.addi %mul3A_34, %mul3A_68 : i32
      %slice3A_70 = vector.extract_strided_slice %select_n3A_66 {offsets = [0], sizes = [1], strides = [1]} : vector<16xi32> to vector<1xi32>
      %squeeze3A_71 = vector.extract %slice3A_70[0] : i32 from vector<1xi32>
      %slice3A_72 = vector.extract_strided_slice %select_n3A_66 {offsets = [1], sizes = [1], strides = [1]} : vector<16xi32> to vector<1xi32>
      %squeeze3A_73 = vector.extract %slice3A_72[0] : i32 from vector<1xi32>
      %slice3A_74 = vector.extract_strided_slice %select_n3A_66 {offsets = [2], sizes = [1], strides = [1]} : vector<16xi32> to vector<1xi32>
      %squeeze3A_75 = vector.extract %slice3A_74[0] : i32 from vector<1xi32>
      %slice3A_76 = vector.extract_strided_slice %select_n3A_66 {offsets = [3], sizes = [1], strides = [1]} : vector<16xi32> to vector<1xi32>
      %squeeze3A_77 = vector.extract %slice3A_76[0] : i32 from vector<1xi32>
      %and3A_78 = arith.andi %squeeze3A_71, %squeeze3A_73 : i32
      %and3A_79 = arith.andi %and3A_78, %squeeze3A_75 : i32
      %and3A_80 = arith.andi %and3A_79, %squeeze3A_77 : i32
      %ge3A_81 = arith.constant 0 : i32
      %ge3A_82 = arith.cmpi sge, %and3A_80, %ge3A_81 : i32
      %convert_element_type3A = arith.extui %ge3A_82 : i1 to i32
      %cond3A = arith.constant 0 : i32
      %cond3A_83 = arith.cmpi ne, %convert_element_type3A, %cond3A : i32
      scf.if %cond3A_83 {
        %ge3A_132 = arith.constant 0 : i32
        %ge3A_133 = arith.cmpi sge, %squeeze3A_71, %ge3A_132 : i32
        %convert_element_type3A_134 = arith.extui %ge3A_133 : i1 to i32
        %cond3A_135 = arith.constant 0 : i32
        %cond3A_136 = arith.cmpi ne, %convert_element_type3A_134, %cond3A_135 : i32
        scf.if %cond3A_136 {
          %add3A_152 = arith.constant 0 : i32
          %add3A_153 = arith.addi %add3A_69, %add3A_152 : i32
          %dma_start3A = arith.constant 0 : i32
          %dma_start3A_154 = tpu.memref_slice %arg7[%squeeze3A_71, %dma_start3A] : memref<32x2048xf32, #tpu.memory_space<vmem>> -> memref<1x2048xf32, #tpu.memory_space<vmem>>
          %dma_start3A_155 = arith.constant 0 : i32
          %dma_start3A_156 = tpu.memref_slice %arg5[%add3A_153, %dma_start3A_155] : memref<16384x2048xf32, #tpu.memory_space<hbm>> -> memref<1x2048xf32, #tpu.memory_space<hbm>>
          %dma_start3A_157 = arith.constant 0 : i32
          %dma_start3A_158 = tpu.memref_slice %arg5[%add3A_153, %dma_start3A_157] : memref<16384x2048xf32, #tpu.memory_space<hbm>> -> memref<1x2048xf32, #tpu.memory_space<hbm>>
          %dma_start3A_159 = arith.constant 0 : i32
          %dma_start3A_160 = tpu.memref_slice %arg7[%squeeze3A_71, %dma_start3A_159] : memref<32x2048xf32, #tpu.memory_space<vmem>> -> memref<1x2048xf32, #tpu.memory_space<vmem>>
          tpu.enqueue_dma source(%dma_start3A_160 : memref<1x2048xf32, #tpu.memory_space<vmem>>) target(%dma_start3A_158 : memref<1x2048xf32, #tpu.memory_space<hbm>>) target_semaphore(%arg9 : memref<!tpu.dma_semaphore, #tpu.memory_space<semaphore_mem>>)
        } else {
        }
        %ge3A_137 = arith.constant 0 : i32
        %ge3A_138 = arith.cmpi sge, %squeeze3A_73, %ge3A_137 : i32
        %convert_element_type3A_139 = arith.extui %ge3A_138 : i1 to i32
        %cond3A_140 = arith.constant 0 : i32
        %cond3A_141 = arith.cmpi ne, %convert_element_type3A_139, %cond3A_140 : i32
        scf.if %cond3A_141 {
          %add3A_152 = arith.constant 1 : i32
          %add3A_153 = arith.addi %add3A_69, %add3A_152 : i32
          %dma_start3A = arith.constant 0 : i32
          %dma_start3A_154 = tpu.memref_slice %arg7[%squeeze3A_73, %dma_start3A] : memref<32x2048xf32, #tpu.memory_space<vmem>> -> memref<1x2048xf32, #tpu.memory_space<vmem>>
          %dma_start3A_155 = arith.constant 0 : i32
          %dma_start3A_156 = tpu.memref_slice %arg5[%add3A_153, %dma_start3A_155] : memref<16384x2048xf32, #tpu.memory_space<hbm>> -> memref<1x2048xf32, #tpu.memory_space<hbm>>
          %dma_start3A_157 = arith.constant 0 : i32
          %dma_start3A_158 = tpu.memref_slice %arg5[%add3A_153, %dma_start3A_157] : memref<16384x2048xf32, #tpu.memory_space<hbm>> -> memref<1x2048xf32, #tpu.memory_space<hbm>>
          %dma_start3A_159 = arith.constant 0 : i32
          %dma_start3A_160 = tpu.memref_slice %arg7[%squeeze3A_73, %dma_start3A_159] : memref<32x2048xf32, #tpu.memory_space<vmem>> -> memref<1x2048xf32, #tpu.memory_space<vmem>>
          tpu.enqueue_dma source(%dma_start3A_160 : memref<1x2048xf32, #tpu.memory_space<vmem>>) target(%dma_start3A_158 : memref<1x2048xf32, #tpu.memory_space<hbm>>) target_semaphore(%arg9 : memref<!tpu.dma_semaphore, #tpu.memory_space<semaphore_mem>>)
        } else {
        }
        %ge3A_142 = arith.constant 0 : i32
        %ge3A_143 = arith.cmpi sge, %squeeze3A_75, %ge3A_142 : i32
        %convert_element_type3A_144 = arith.extui %ge3A_143 : i1 to i32
        %cond3A_145 = arith.constant 0 : i32
        %cond3A_146 = arith.cmpi ne, %convert_element_type3A_144, %cond3A_145 : i32
        scf.if %cond3A_146 {
          %add3A_152 = arith.constant 2 : i32
          %add3A_153 = arith.addi %add3A_69, %add3A_152 : i32
          %dma_start3A = arith.constant 0 : i32
          %dma_start3A_154 = tpu.memref_slice %arg7[%squeeze3A_75, %dma_start3A] : memref<32x2048xf32, #tpu.memory_space<vmem>> -> memref<1x2048xf32, #tpu.memory_space<vmem>>
          %dma_start3A_155 = arith.constant 0 : i32
          %dma_start3A_156 = tpu.memref_slice %arg5[%add3A_153, %dma_start3A_155] : memref<16384x2048xf32, #tpu.memory_space<hbm>> -> memref<1x2048xf32, #tpu.memory_space<hbm>>
          %dma_start3A_157 = arith.constant 0 : i32
          %dma_start3A_158 = tpu.memref_slice %arg5[%add3A_153, %dma_start3A_157] : memref<16384x2048xf32, #tpu.memory_space<hbm>> -> memref<1x2048xf32, #tpu.memory_space<hbm>>
          %dma_start3A_159 = arith.constant 0 : i32
          %dma_start3A_160 = tpu.memref_slice %arg7[%squeeze3A_75, %dma_start3A_159] : memref<32x2048xf32, #tpu.memory_space<vmem>> -> memref<1x2048xf32, #tpu.memory_space<vmem>>
          tpu.enqueue_dma source(%dma_start3A_160 : memref<1x2048xf32, #tpu.memory_space<vmem>>) target(%dma_start3A_158 : memref<1x2048xf32, #tpu.memory_space<hbm>>) target_semaphore(%arg9 : memref<!tpu.dma_semaphore, #tpu.memory_space<semaphore_mem>>)
        } else {
        }
        %ge3A_147 = arith.constant 0 : i32
        %ge3A_148 = arith.cmpi sge, %squeeze3A_77, %ge3A_147 : i32
        %convert_element_type3A_149 = arith.extui %ge3A_148 : i1 to i32
        %cond3A_150 = arith.constant 0 : i32
        %cond3A_151 = arith.cmpi ne, %convert_element_type3A_149, %cond3A_150 : i32
        scf.if %cond3A_151 {
          %add3A_152 = arith.constant 3 : i32
          %add3A_153 = arith.addi %add3A_69, %add3A_152 : i32
          %dma_start3A = arith.constant 0 : i32
          %dma_start3A_154 = tpu.memref_slice %arg7[%squeeze3A_77, %dma_start3A] : memref<32x2048xf32, #tpu.memory_space<vmem>> -> memref<1x2048xf32, #tpu.memory_space<vmem>>
          %dma_start3A_155 = arith.constant 0 : i32
          %dma_start3A_156 = tpu.memref_slice %arg5[%add3A_153, %dma_start3A_155] : memref<16384x2048xf32, #tpu.memory_space<hbm>> -> memref<1x2048xf32, #tpu.memory_space<hbm>>
          %dma_start3A_157 = arith.constant 0 : i32
          %dma_start3A_158 = tpu.memref_slice %arg5[%add3A_153, %dma_start3A_157] : memref<16384x2048xf32, #tpu.memory_space<hbm>> -> memref<1x2048xf32, #tpu.memory_space<hbm>>
          %dma_start3A_159 = arith.constant 0 : i32
          %dma_start3A_160 = tpu.memref_slice %arg7[%squeeze3A_77, %dma_start3A_159] : memref<32x2048xf32, #tpu.memory_space<vmem>> -> memref<1x2048xf32, #tpu.memory_space<vmem>>
          tpu.enqueue_dma source(%dma_start3A_160 : memref<1x2048xf32, #tpu.memory_space<vmem>>) target(%dma_start3A_158 : memref<1x2048xf32, #tpu.memory_space<hbm>>) target_semaphore(%arg9 : memref<!tpu.dma_semaphore, #tpu.memory_space<semaphore_mem>>)
        } else {
        }
      } else {
      }
      %slice3A_84 = vector.extract_strided_slice %select_n3A_66 {offsets = [4], sizes = [1], strides = [1]} : vector<16xi32> to vector<1xi32>
      %squeeze3A_85 = vector.extract %slice3A_84[0] : i32 from vector<1xi32>
      %slice3A_86 = vector.extract_strided_slice %select_n3A_66 {offsets = [5], sizes = [1], strides = [1]} : vector<16xi32> to vector<1xi32>
      %squeeze3A_87 = vector.extract %slice3A_86[0] : i32 from vector<1xi32>
      %slice3A_88 = vector.extract_strided_slice %select_n3A_66 {offsets = [6], sizes = [1], strides = [1]} : vector<16xi32> to vector<1xi32>
      %squeeze3A_89 = vector.extract %slice3A_88[0] : i32 from vector<1xi32>
      %slice3A_90 = vector.extract_strided_slice %select_n3A_66 {offsets = [7], sizes = [1], strides = [1]} : vector<16xi32> to vector<1xi32>
      %squeeze3A_91 = vector.extract %slice3A_90[0] : i32 from vector<1xi32>
      %and3A_92 = arith.andi %squeeze3A_85, %squeeze3A_87 : i32
      %and3A_93 = arith.andi %and3A_92, %squeeze3A_89 : i32
      %and3A_94 = arith.andi %and3A_93, %squeeze3A_91 : i32
      %ge3A_95 = arith.constant 0 : i32
      %ge3A_96 = arith.cmpi sge, %and3A_94, %ge3A_95 : i32
      %convert_element_type3A_97 = arith.extui %ge3A_96 : i1 to i32
      %cond3A_98 = arith.constant 0 : i32
      %cond3A_99 = arith.cmpi ne, %convert_element_type3A_97, %cond3A_98 : i32
      scf.if %cond3A_99 {
        %ge3A_132 = arith.constant 0 : i32
        %ge3A_133 = arith.cmpi sge, %squeeze3A_85, %ge3A_132 : i32
        %convert_element_type3A_134 = arith.extui %ge3A_133 : i1 to i32
        %cond3A_135 = arith.constant 0 : i32
        %cond3A_136 = arith.cmpi ne, %convert_element_type3A_134, %cond3A_135 : i32
        scf.if %cond3A_136 {
          %add3A_152 = arith.constant 4 : i32
          %add3A_153 = arith.addi %add3A_69, %add3A_152 : i32
          %dma_start3A = arith.constant 0 : i32
          %dma_start3A_154 = tpu.memref_slice %arg7[%squeeze3A_85, %dma_start3A] : memref<32x2048xf32, #tpu.memory_space<vmem>> -> memref<1x2048xf32, #tpu.memory_space<vmem>>
          %dma_start3A_155 = arith.constant 0 : i32
          %dma_start3A_156 = tpu.memref_slice %arg5[%add3A_153, %dma_start3A_155] : memref<16384x2048xf32, #tpu.memory_space<hbm>> -> memref<1x2048xf32, #tpu.memory_space<hbm>>
          %dma_start3A_157 = arith.constant 0 : i32
          %dma_start3A_158 = tpu.memref_slice %arg5[%add3A_153, %dma_start3A_157] : memref<16384x2048xf32, #tpu.memory_space<hbm>> -> memref<1x2048xf32, #tpu.memory_space<hbm>>
          %dma_start3A_159 = arith.constant 0 : i32
          %dma_start3A_160 = tpu.memref_slice %arg7[%squeeze3A_85, %dma_start3A_159] : memref<32x2048xf32, #tpu.memory_space<vmem>> -> memref<1x2048xf32, #tpu.memory_space<vmem>>
          tpu.enqueue_dma source(%dma_start3A_160 : memref<1x2048xf32, #tpu.memory_space<vmem>>) target(%dma_start3A_158 : memref<1x2048xf32, #tpu.memory_space<hbm>>) target_semaphore(%arg9 : memref<!tpu.dma_semaphore, #tpu.memory_space<semaphore_mem>>)
        } else {
        }
        %ge3A_137 = arith.constant 0 : i32
        %ge3A_138 = arith.cmpi sge, %squeeze3A_87, %ge3A_137 : i32
        %convert_element_type3A_139 = arith.extui %ge3A_138 : i1 to i32
        %cond3A_140 = arith.constant 0 : i32
        %cond3A_141 = arith.cmpi ne, %convert_element_type3A_139, %cond3A_140 : i32
        scf.if %cond3A_141 {
          %add3A_152 = arith.constant 5 : i32
          %add3A_153 = arith.addi %add3A_69, %add3A_152 : i32
          %dma_start3A = arith.constant 0 : i32
          %dma_start3A_154 = tpu.memref_slice %arg7[%squeeze3A_87, %dma_start3A] : memref<32x2048xf32, #tpu.memory_space<vmem>> -> memref<1x2048xf32, #tpu.memory_space<vmem>>
          %dma_start3A_155 = arith.constant 0 : i32
          %dma_start3A_156 = tpu.memref_slice %arg5[%add3A_153, %dma_start3A_155] : memref<16384x2048xf32, #tpu.memory_space<hbm>> -> memref<1x2048xf32, #tpu.memory_space<hbm>>
          %dma_start3A_157 = arith.constant 0 : i32
          %dma_start3A_158 = tpu.memref_slice %arg5[%add3A_153, %dma_start3A_157] : memref<16384x2048xf32, #tpu.memory_space<hbm>> -> memref<1x2048xf32, #tpu.memory_space<hbm>>
          %dma_start3A_159 = arith.constant 0 : i32
          %dma_start3A_160 = tpu.memref_slice %arg7[%squeeze3A_87, %dma_start3A_159] : memref<32x2048xf32, #tpu.memory_space<vmem>> -> memref<1x2048xf32, #tpu.memory_space<vmem>>
          tpu.enqueue_dma source(%dma_start3A_160 : memref<1x2048xf32, #tpu.memory_space<vmem>>) target(%dma_start3A_158 : memref<1x2048xf32, #tpu.memory_space<hbm>>) target_semaphore(%arg9 : memref<!tpu.dma_semaphore, #tpu.memory_space<semaphore_mem>>)
        } else {
        }
        %ge3A_142 = arith.constant 0 : i32
        %ge3A_143 = arith.cmpi sge, %squeeze3A_89, %ge3A_142 : i32
        %convert_element_type3A_144 = arith.extui %ge3A_143 : i1 to i32
        %cond3A_145 = arith.constant 0 : i32
        %cond3A_146 = arith.cmpi ne, %convert_element_type3A_144, %cond3A_145 : i32
        scf.if %cond3A_146 {
          %add3A_152 = arith.constant 6 : i32
          %add3A_153 = arith.addi %add3A_69, %add3A_152 : i32
          %dma_start3A = arith.constant 0 : i32
          %dma_start3A_154 = tpu.memref_slice %arg7[%squeeze3A_89, %dma_start3A] : memref<32x2048xf32, #tpu.memory_space<vmem>> -> memref<1x2048xf32, #tpu.memory_space<vmem>>
          %dma_start3A_155 = arith.constant 0 : i32
          %dma_start3A_156 = tpu.memref_slice %arg5[%add3A_153, %dma_start3A_155] : memref<16384x2048xf32, #tpu.memory_space<hbm>> -> memref<1x2048xf32, #tpu.memory_space<hbm>>
          %dma_start3A_157 = arith.constant 0 : i32
          %dma_start3A_158 = tpu.memref_slice %arg5[%add3A_153, %dma_start3A_157] : memref<16384x2048xf32, #tpu.memory_space<hbm>> -> memref<1x2048xf32, #tpu.memory_space<hbm>>
          %dma_start3A_159 = arith.constant 0 : i32
          %dma_start3A_160 = tpu.memref_slice %arg7[%squeeze3A_89, %dma_start3A_159] : memref<32x2048xf32, #tpu.memory_space<vmem>> -> memref<1x2048xf32, #tpu.memory_space<vmem>>
          tpu.enqueue_dma source(%dma_start3A_160 : memref<1x2048xf32, #tpu.memory_space<vmem>>) target(%dma_start3A_158 : memref<1x2048xf32, #tpu.memory_space<hbm>>) target_semaphore(%arg9 : memref<!tpu.dma_semaphore, #tpu.memory_space<semaphore_mem>>)
        } else {
        }
        %ge3A_147 = arith.constant 0 : i32
        %ge3A_148 = arith.cmpi sge, %squeeze3A_91, %ge3A_147 : i32
        %convert_element_type3A_149 = arith.extui %ge3A_148 : i1 to i32
        %cond3A_150 = arith.constant 0 : i32
        %cond3A_151 = arith.cmpi ne, %convert_element_type3A_149, %cond3A_150 : i32
        scf.if %cond3A_151 {
          %add3A_152 = arith.constant 7 : i32
          %add3A_153 = arith.addi %add3A_69, %add3A_152 : i32
          %dma_start3A = arith.constant 0 : i32
          %dma_start3A_154 = tpu.memref_slice %arg7[%squeeze3A_91, %dma_start3A] : memref<32x2048xf32, #tpu.memory_space<vmem>> -> memref<1x2048xf32, #tpu.memory_space<vmem>>
          %dma_start3A_155 = arith.constant 0 : i32
          %dma_start3A_156 = tpu.memref_slice %arg5[%add3A_153, %dma_start3A_155] : memref<16384x2048xf32, #tpu.memory_space<hbm>> -> memref<1x2048xf32, #tpu.memory_space<hbm>>
          %dma_start3A_157 = arith.constant 0 : i32
          %dma_start3A_158 = tpu.memref_slice %arg5[%add3A_153, %dma_start3A_157] : memref<16384x2048xf32, #tpu.memory_space<hbm>> -> memref<1x2048xf32, #tpu.memory_space<hbm>>
          %dma_start3A_159 = arith.constant 0 : i32
          %dma_start3A_160 = tpu.memref_slice %arg7[%squeeze3A_91, %dma_start3A_159] : memref<32x2048xf32, #tpu.memory_space<vmem>> -> memref<1x2048xf32, #tpu.memory_space<vmem>>
          tpu.enqueue_dma source(%dma_start3A_160 : memref<1x2048xf32, #tpu.memory_space<vmem>>) target(%dma_start3A_158 : memref<1x2048xf32, #tpu.memory_space<hbm>>) target_semaphore(%arg9 : memref<!tpu.dma_semaphore, #tpu.memory_space<semaphore_mem>>)
        } else {
        }
      } else {
      }
      %slice3A_100 = vector.extract_strided_slice %select_n3A_66 {offsets = [8], sizes = [1], strides = [1]} : vector<16xi32> to vector<1xi32>
      %squeeze3A_101 = vector.extract %slice3A_100[0] : i32 from vector<1xi32>
      %slice3A_102 = vector.extract_strided_slice %select_n3A_66 {offsets = [9], sizes = [1], strides = [1]} : vector<16xi32> to vector<1xi32>
      %squeeze3A_103 = vector.extract %slice3A_102[0] : i32 from vector<1xi32>
      %slice3A_104 = vector.extract_strided_slice %select_n3A_66 {offsets = [10], sizes = [1], strides = [1]} : vector<16xi32> to vector<1xi32>
      %squeeze3A_105 = vector.extract %slice3A_104[0] : i32 from vector<1xi32>
      %slice3A_106 = vector.extract_strided_slice %select_n3A_66 {offsets = [11], sizes = [1], strides = [1]} : vector<16xi32> to vector<1xi32>
      %squeeze3A_107 = vector.extract %slice3A_106[0] : i32 from vector<1xi32>
      %and3A_108 = arith.andi %squeeze3A_101, %squeeze3A_103 : i32
      %and3A_109 = arith.andi %and3A_108, %squeeze3A_105 : i32
      %and3A_110 = arith.andi %and3A_109, %squeeze3A_107 : i32
      %ge3A_111 = arith.constant 0 : i32
      %ge3A_112 = arith.cmpi sge, %and3A_110, %ge3A_111 : i32
      %convert_element_type3A_113 = arith.extui %ge3A_112 : i1 to i32
      %cond3A_114 = arith.constant 0 : i32
      %cond3A_115 = arith.cmpi ne, %convert_element_type3A_113, %cond3A_114 : i32
      scf.if %cond3A_115 {
        %ge3A_132 = arith.constant 0 : i32
        %ge3A_133 = arith.cmpi sge, %squeeze3A_101, %ge3A_132 : i32
        %convert_element_type3A_134 = arith.extui %ge3A_133 : i1 to i32
        %cond3A_135 = arith.constant 0 : i32
        %cond3A_136 = arith.cmpi ne, %convert_element_type3A_134, %cond3A_135 : i32
        scf.if %cond3A_136 {
          %add3A_152 = arith.constant 8 : i32
          %add3A_153 = arith.addi %add3A_69, %add3A_152 : i32
          %dma_start3A = arith.constant 0 : i32
          %dma_start3A_154 = tpu.memref_slice %arg7[%squeeze3A_101, %dma_start3A] : memref<32x2048xf32, #tpu.memory_space<vmem>> -> memref<1x2048xf32, #tpu.memory_space<vmem>>
          %dma_start3A_155 = arith.constant 0 : i32
          %dma_start3A_156 = tpu.memref_slice %arg5[%add3A_153, %dma_start3A_155] : memref<16384x2048xf32, #tpu.memory_space<hbm>> -> memref<1x2048xf32, #tpu.memory_space<hbm>>
          %dma_start3A_157 = arith.constant 0 : i32
          %dma_start3A_158 = tpu.memref_slice %arg5[%add3A_153, %dma_start3A_157] : memref<16384x2048xf32, #tpu.memory_space<hbm>> -> memref<1x2048xf32, #tpu.memory_space<hbm>>
          %dma_start3A_159 = arith.constant 0 : i32
          %dma_start3A_160 = tpu.memref_slice %arg7[%squeeze3A_101, %dma_start3A_159] : memref<32x2048xf32, #tpu.memory_space<vmem>> -> memref<1x2048xf32, #tpu.memory_space<vmem>>
          tpu.enqueue_dma source(%dma_start3A_160 : memref<1x2048xf32, #tpu.memory_space<vmem>>) target(%dma_start3A_158 : memref<1x2048xf32, #tpu.memory_space<hbm>>) target_semaphore(%arg9 : memref<!tpu.dma_semaphore, #tpu.memory_space<semaphore_mem>>)
        } else {
        }
        %ge3A_137 = arith.constant 0 : i32
        %ge3A_138 = arith.cmpi sge, %squeeze3A_103, %ge3A_137 : i32
        %convert_element_type3A_139 = arith.extui %ge3A_138 : i1 to i32
        %cond3A_140 = arith.constant 0 : i32
        %cond3A_141 = arith.cmpi ne, %convert_element_type3A_139, %cond3A_140 : i32
        scf.if %cond3A_141 {
          %add3A_152 = arith.constant 9 : i32
          %add3A_153 = arith.addi %add3A_69, %add3A_152 : i32
          %dma_start3A = arith.constant 0 : i32
          %dma_start3A_154 = tpu.memref_slice %arg7[%squeeze3A_103, %dma_start3A] : memref<32x2048xf32, #tpu.memory_space<vmem>> -> memref<1x2048xf32, #tpu.memory_space<vmem>>
          %dma_start3A_155 = arith.constant 0 : i32
          %dma_start3A_156 = tpu.memref_slice %arg5[%add3A_153, %dma_start3A_155] : memref<16384x2048xf32, #tpu.memory_space<hbm>> -> memref<1x2048xf32, #tpu.memory_space<hbm>>
          %dma_start3A_157 = arith.constant 0 : i32
          %dma_start3A_158 = tpu.memref_slice %arg5[%add3A_153, %dma_start3A_157] : memref<16384x2048xf32, #tpu.memory_space<hbm>> -> memref<1x2048xf32, #tpu.memory_space<hbm>>
          %dma_start3A_159 = arith.constant 0 : i32
          %dma_start3A_160 = tpu.memref_slice %arg7[%squeeze3A_103, %dma_start3A_159] : memref<32x2048xf32, #tpu.memory_space<vmem>> -> memref<1x2048xf32, #tpu.memory_space<vmem>>
          tpu.enqueue_dma source(%dma_start3A_160 : memref<1x2048xf32, #tpu.memory_space<vmem>>) target(%dma_start3A_158 : memref<1x2048xf32, #tpu.memory_space<hbm>>) target_semaphore(%arg9 : memref<!tpu.dma_semaphore, #tpu.memory_space<semaphore_mem>>)
        } else {
        }
        %ge3A_142 = arith.constant 0 : i32
        %ge3A_143 = arith.cmpi sge, %squeeze3A_105, %ge3A_142 : i32
        %convert_element_type3A_144 = arith.extui %ge3A_143 : i1 to i32
        %cond3A_145 = arith.constant 0 : i32
        %cond3A_146 = arith.cmpi ne, %convert_element_type3A_144, %cond3A_145 : i32
        scf.if %cond3A_146 {
          %add3A_152 = arith.constant 10 : i32
          %add3A_153 = arith.addi %add3A_69, %add3A_152 : i32
          %dma_start3A = arith.constant 0 : i32
          %dma_start3A_154 = tpu.memref_slice %arg7[%squeeze3A_105, %dma_start3A] : memref<32x2048xf32, #tpu.memory_space<vmem>> -> memref<1x2048xf32, #tpu.memory_space<vmem>>
          %dma_start3A_155 = arith.constant 0 : i32
          %dma_start3A_156 = tpu.memref_slice %arg5[%add3A_153, %dma_start3A_155] : memref<16384x2048xf32, #tpu.memory_space<hbm>> -> memref<1x2048xf32, #tpu.memory_space<hbm>>
          %dma_start3A_157 = arith.constant 0 : i32
          %dma_start3A_158 = tpu.memref_slice %arg5[%add3A_153, %dma_start3A_157] : memref<16384x2048xf32, #tpu.memory_space<hbm>> -> memref<1x2048xf32, #tpu.memory_space<hbm>>
          %dma_start3A_159 = arith.constant 0 : i32
          %dma_start3A_160 = tpu.memref_slice %arg7[%squeeze3A_105, %dma_start3A_159] : memref<32x2048xf32, #tpu.memory_space<vmem>> -> memref<1x2048xf32, #tpu.memory_space<vmem>>
          tpu.enqueue_dma source(%dma_start3A_160 : memref<1x2048xf32, #tpu.memory_space<vmem>>) target(%dma_start3A_158 : memref<1x2048xf32, #tpu.memory_space<hbm>>) target_semaphore(%arg9 : memref<!tpu.dma_semaphore, #tpu.memory_space<semaphore_mem>>)
        } else {
        }
        %ge3A_147 = arith.constant 0 : i32
        %ge3A_148 = arith.cmpi sge, %squeeze3A_107, %ge3A_147 : i32
        %convert_element_type3A_149 = arith.extui %ge3A_148 : i1 to i32
        %cond3A_150 = arith.constant 0 : i32
        %cond3A_151 = arith.cmpi ne, %convert_element_type3A_149, %cond3A_150 : i32
        scf.if %cond3A_151 {
          %add3A_152 = arith.constant 11 : i32
          %add3A_153 = arith.addi %add3A_69, %add3A_152 : i32
          %dma_start3A = arith.constant 0 : i32
          %dma_start3A_154 = tpu.memref_slice %arg7[%squeeze3A_107, %dma_start3A] : memref<32x2048xf32, #tpu.memory_space<vmem>> -> memref<1x2048xf32, #tpu.memory_space<vmem>>
          %dma_start3A_155 = arith.constant 0 : i32
          %dma_start3A_156 = tpu.memref_slice %arg5[%add3A_153, %dma_start3A_155] : memref<16384x2048xf32, #tpu.memory_space<hbm>> -> memref<1x2048xf32, #tpu.memory_space<hbm>>
          %dma_start3A_157 = arith.constant 0 : i32
          %dma_start3A_158 = tpu.memref_slice %arg5[%add3A_153, %dma_start3A_157] : memref<16384x2048xf32, #tpu.memory_space<hbm>> -> memref<1x2048xf32, #tpu.memory_space<hbm>>
          %dma_start3A_159 = arith.constant 0 : i32
          %dma_start3A_160 = tpu.memref_slice %arg7[%squeeze3A_107, %dma_start3A_159] : memref<32x2048xf32, #tpu.memory_space<vmem>> -> memref<1x2048xf32, #tpu.memory_space<vmem>>
          tpu.enqueue_dma source(%dma_start3A_160 : memref<1x2048xf32, #tpu.memory_space<vmem>>) target(%dma_start3A_158 : memref<1x2048xf32, #tpu.memory_space<hbm>>) target_semaphore(%arg9 : memref<!tpu.dma_semaphore, #tpu.memory_space<semaphore_mem>>)
        } else {
        }
      } else {
      }
      %slice3A_116 = vector.extract_strided_slice %select_n3A_66 {offsets = [12], sizes = [1], strides = [1]} : vector<16xi32> to vector<1xi32>
      %squeeze3A_117 = vector.extract %slice3A_116[0] : i32 from vector<1xi32>
      %slice3A_118 = vector.extract_strided_slice %select_n3A_66 {offsets = [13], sizes = [1], strides = [1]} : vector<16xi32> to vector<1xi32>
      %squeeze3A_119 = vector.extract %slice3A_118[0] : i32 from vector<1xi32>
      %slice3A_120 = vector.extract_strided_slice %select_n3A_66 {offsets = [14], sizes = [1], strides = [1]} : vector<16xi32> to vector<1xi32>
      %squeeze3A_121 = vector.extract %slice3A_120[0] : i32 from vector<1xi32>
      %slice3A_122 = vector.extract_strided_slice %select_n3A_66 {offsets = [15], sizes = [1], strides = [1]} : vector<16xi32> to vector<1xi32>
      %squeeze3A_123 = vector.extract %slice3A_122[0] : i32 from vector<1xi32>
      %and3A_124 = arith.andi %squeeze3A_117, %squeeze3A_119 : i32
      %and3A_125 = arith.andi %and3A_124, %squeeze3A_121 : i32
      %and3A_126 = arith.andi %and3A_125, %squeeze3A_123 : i32
      %ge3A_127 = arith.constant 0 : i32
      %ge3A_128 = arith.cmpi sge, %and3A_126, %ge3A_127 : i32
      %convert_element_type3A_129 = arith.extui %ge3A_128 : i1 to i32
      %cond3A_130 = arith.constant 0 : i32
      %cond3A_131 = arith.cmpi ne, %convert_element_type3A_129, %cond3A_130 : i32
      scf.if %cond3A_131 {
        %ge3A_132 = arith.constant 0 : i32
        %ge3A_133 = arith.cmpi sge, %squeeze3A_117, %ge3A_132 : i32
        %convert_element_type3A_134 = arith.extui %ge3A_133 : i1 to i32
        %cond3A_135 = arith.constant 0 : i32
        %cond3A_136 = arith.cmpi ne, %convert_element_type3A_134, %cond3A_135 : i32
        scf.if %cond3A_136 {
          %add3A_152 = arith.constant 12 : i32
          %add3A_153 = arith.addi %add3A_69, %add3A_152 : i32
          %dma_start3A = arith.constant 0 : i32
          %dma_start3A_154 = tpu.memref_slice %arg7[%squeeze3A_117, %dma_start3A] : memref<32x2048xf32, #tpu.memory_space<vmem>> -> memref<1x2048xf32, #tpu.memory_space<vmem>>
          %dma_start3A_155 = arith.constant 0 : i32
          %dma_start3A_156 = tpu.memref_slice %arg5[%add3A_153, %dma_start3A_155] : memref<16384x2048xf32, #tpu.memory_space<hbm>> -> memref<1x2048xf32, #tpu.memory_space<hbm>>
          %dma_start3A_157 = arith.constant 0 : i32
          %dma_start3A_158 = tpu.memref_slice %arg5[%add3A_153, %dma_start3A_157] : memref<16384x2048xf32, #tpu.memory_space<hbm>> -> memref<1x2048xf32, #tpu.memory_space<hbm>>
          %dma_start3A_159 = arith.constant 0 : i32
          %dma_start3A_160 = tpu.memref_slice %arg7[%squeeze3A_117, %dma_start3A_159] : memref<32x2048xf32, #tpu.memory_space<vmem>> -> memref<1x2048xf32, #tpu.memory_space<vmem>>
          tpu.enqueue_dma source(%dma_start3A_160 : memref<1x2048xf32, #tpu.memory_space<vmem>>) target(%dma_start3A_158 : memref<1x2048xf32, #tpu.memory_space<hbm>>) target_semaphore(%arg9 : memref<!tpu.dma_semaphore, #tpu.memory_space<semaphore_mem>>)
        } else {
        }
        %ge3A_137 = arith.constant 0 : i32
        %ge3A_138 = arith.cmpi sge, %squeeze3A_119, %ge3A_137 : i32
        %convert_element_type3A_139 = arith.extui %ge3A_138 : i1 to i32
        %cond3A_140 = arith.constant 0 : i32
        %cond3A_141 = arith.cmpi ne, %convert_element_type3A_139, %cond3A_140 : i32
        scf.if %cond3A_141 {
          %add3A_152 = arith.constant 13 : i32
          %add3A_153 = arith.addi %add3A_69, %add3A_152 : i32
          %dma_start3A = arith.constant 0 : i32
          %dma_start3A_154 = tpu.memref_slice %arg7[%squeeze3A_119, %dma_start3A] : memref<32x2048xf32, #tpu.memory_space<vmem>> -> memref<1x2048xf32, #tpu.memory_space<vmem>>
          %dma_start3A_155 = arith.constant 0 : i32
          %dma_start3A_156 = tpu.memref_slice %arg5[%add3A_153, %dma_start3A_155] : memref<16384x2048xf32, #tpu.memory_space<hbm>> -> memref<1x2048xf32, #tpu.memory_space<hbm>>
          %dma_start3A_157 = arith.constant 0 : i32
          %dma_start3A_158 = tpu.memref_slice %arg5[%add3A_153, %dma_start3A_157] : memref<16384x2048xf32, #tpu.memory_space<hbm>> -> memref<1x2048xf32, #tpu.memory_space<hbm>>
          %dma_start3A_159 = arith.constant 0 : i32
          %dma_start3A_160 = tpu.memref_slice %arg7[%squeeze3A_119, %dma_start3A_159] : memref<32x2048xf32, #tpu.memory_space<vmem>> -> memref<1x2048xf32, #tpu.memory_space<vmem>>
          tpu.enqueue_dma source(%dma_start3A_160 : memref<1x2048xf32, #tpu.memory_space<vmem>>) target(%dma_start3A_158 : memref<1x2048xf32, #tpu.memory_space<hbm>>) target_semaphore(%arg9 : memref<!tpu.dma_semaphore, #tpu.memory_space<semaphore_mem>>)
        } else {
        }
        %ge3A_142 = arith.constant 0 : i32
        %ge3A_143 = arith.cmpi sge, %squeeze3A_121, %ge3A_142 : i32
        %convert_element_type3A_144 = arith.extui %ge3A_143 : i1 to i32
        %cond3A_145 = arith.constant 0 : i32
        %cond3A_146 = arith.cmpi ne, %convert_element_type3A_144, %cond3A_145 : i32
        scf.if %cond3A_146 {
          %add3A_152 = arith.constant 14 : i32
          %add3A_153 = arith.addi %add3A_69, %add3A_152 : i32
          %dma_start3A = arith.constant 0 : i32
          %dma_start3A_154 = tpu.memref_slice %arg7[%squeeze3A_121, %dma_start3A] : memref<32x2048xf32, #tpu.memory_space<vmem>> -> memref<1x2048xf32, #tpu.memory_space<vmem>>
          %dma_start3A_155 = arith.constant 0 : i32
          %dma_start3A_156 = tpu.memref_slice %arg5[%add3A_153, %dma_start3A_155] : memref<16384x2048xf32, #tpu.memory_space<hbm>> -> memref<1x2048xf32, #tpu.memory_space<hbm>>
          %dma_start3A_157 = arith.constant 0 : i32
          %dma_start3A_158 = tpu.memref_slice %arg5[%add3A_153, %dma_start3A_157] : memref<16384x2048xf32, #tpu.memory_space<hbm>> -> memref<1x2048xf32, #tpu.memory_space<hbm>>
          %dma_start3A_159 = arith.constant 0 : i32
          %dma_start3A_160 = tpu.memref_slice %arg7[%squeeze3A_121, %dma_start3A_159] : memref<32x2048xf32, #tpu.memory_space<vmem>> -> memref<1x2048xf32, #tpu.memory_space<vmem>>
          tpu.enqueue_dma source(%dma_start3A_160 : memref<1x2048xf32, #tpu.memory_space<vmem>>) target(%dma_start3A_158 : memref<1x2048xf32, #tpu.memory_space<hbm>>) target_semaphore(%arg9 : memref<!tpu.dma_semaphore, #tpu.memory_space<semaphore_mem>>)
        } else {
        }
        %ge3A_147 = arith.constant 0 : i32
        %ge3A_148 = arith.cmpi sge, %squeeze3A_123, %ge3A_147 : i32
        %convert_element_type3A_149 = arith.extui %ge3A_148 : i1 to i32
        %cond3A_150 = arith.constant 0 : i32
        %cond3A_151 = arith.cmpi ne, %convert_element_type3A_149, %cond3A_150 : i32
        scf.if %cond3A_151 {
          %add3A_152 = arith.constant 15 : i32
          %add3A_153 = arith.addi %add3A_69, %add3A_152 : i32
          %dma_start3A = arith.constant 0 : i32
          %dma_start3A_154 = tpu.memref_slice %arg7[%squeeze3A_123, %dma_start3A] : memref<32x2048xf32, #tpu.memory_space<vmem>> -> memref<1x2048xf32, #tpu.memory_space<vmem>>
          %dma_start3A_155 = arith.constant 0 : i32
          %dma_start3A_156 = tpu.memref_slice %arg5[%add3A_153, %dma_start3A_155] : memref<16384x2048xf32, #tpu.memory_space<hbm>> -> memref<1x2048xf32, #tpu.memory_space<hbm>>
          %dma_start3A_157 = arith.constant 0 : i32
          %dma_start3A_158 = tpu.memref_slice %arg5[%add3A_153, %dma_start3A_157] : memref<16384x2048xf32, #tpu.memory_space<hbm>> -> memref<1x2048xf32, #tpu.memory_space<hbm>>
          %dma_start3A_159 = arith.constant 0 : i32
          %dma_start3A_160 = tpu.memref_slice %arg7[%squeeze3A_123, %dma_start3A_159] : memref<32x2048xf32, #tpu.memory_space<vmem>> -> memref<1x2048xf32, #tpu.memory_space<vmem>>
          tpu.enqueue_dma source(%dma_start3A_160 : memref<1x2048xf32, #tpu.memory_space<vmem>>) target(%dma_start3A_158 : memref<1x2048xf32, #tpu.memory_space<hbm>>) target_semaphore(%arg9 : memref<!tpu.dma_semaphore, #tpu.memory_space<semaphore_mem>>)
        } else {
        }
      } else {
      }
    }
    %scan3A_41 = arith.constant 256 : i32
    %while3A = arith.constant 0 : i32
    %while3A_42 = arith.constant 0 : i32
    %while3A_43 = arith.subi %squeeze3A, %while3A_42 : i32
    %while3A_44 = arith.addi %while3A_42, %while3A_43 : i32
    %while3A_45 = arith.constant 1 : i32
    %while3A_46 = arith.divsi %while3A_43, %while3A_45 : i32
    %while3A_47 = arith.muli %while3A_46, %while3A_45 : i32
    %while3A_48 = arith.addi %while3A_42, %while3A_47 : i32
    %while3A_49 = arith.constant 1 : i32
    scf.for %while3A_51 = %while3A_42 to %while3A_48 step %while3A_49  : i32 {
      %dma_wait3A = arith.constant 0 : i32
      %dma_wait3A_52 = arith.constant 0 : i32
      %dma_wait3A_53 = tpu.memref_slice %arg7[%dma_wait3A, %dma_wait3A_52] : memref<32x2048xf32, #tpu.memory_space<vmem>> -> memref<1x2048xf32, #tpu.memory_space<vmem>>
      %dma_wait3A_54 = arith.constant 0 : i32
      %dma_wait3A_55 = tpu.memref_slice %arg5[%mul3A_34, %dma_wait3A_54] : memref<16384x2048xf32, #tpu.memory_space<hbm>> -> memref<1x2048xf32, #tpu.memory_space<hbm>>
      %dma_wait3A_56 = arith.constant 0 : i32
      %dma_wait3A_57 = arith.constant 0 : i32
      %dma_wait3A_58 = tpu.memref_slice %arg7[%dma_wait3A_56, %dma_wait3A_57] : memref<32x2048xf32, #tpu.memory_space<vmem>> -> memref<1x2048xf32, #tpu.memory_space<vmem>>
      %dma_wait3A_59 = arith.constant 0 : i32
      %dma_wait3A_60 = tpu.memref_slice %arg5[%mul3A_34, %dma_wait3A_59] : memref<16384x2048xf32, #tpu.memory_space<hbm>> -> memref<1x2048xf32, #tpu.memory_space<hbm>>
      tpu.wait_dma2 semaphore(%arg9 : memref<!tpu.dma_semaphore, #tpu.memory_space<semaphore_mem>>) src(%dma_wait3A_60 : memref<1x2048xf32, #tpu.memory_space<hbm>>) dst(%dma_wait3A_58 : memref<1x2048xf32, #tpu.memory_space<vmem>>)
    }
    %while3A_50 = arith.constant 1 : i32
    scf.for %while3A_51 = %while3A_48 to %while3A_44 step %while3A_50  : i32 {
      %dma_wait3A = arith.constant 0 : i32
      %dma_wait3A_52 = arith.constant 0 : i32
      %dma_wait3A_53 = tpu.memref_slice %arg7[%dma_wait3A, %dma_wait3A_52] : memref<32x2048xf32, #tpu.memory_space<vmem>> -> memref<1x2048xf32, #tpu.memory_space<vmem>>
      %dma_wait3A_54 = arith.constant 0 : i32
      %dma_wait3A_55 = tpu.memref_slice %arg5[%mul3A_34, %dma_wait3A_54] : memref<16384x2048xf32, #tpu.memory_space<hbm>> -> memref<1x2048xf32, #tpu.memory_space<hbm>>
      %dma_wait3A_56 = arith.constant 0 : i32
      %dma_wait3A_57 = arith.constant 0 : i32
      %dma_wait3A_58 = tpu.memref_slice %arg7[%dma_wait3A_56, %dma_wait3A_57] : memref<32x2048xf32, #tpu.memory_space<vmem>> -> memref<1x2048xf32, #tpu.memory_space<vmem>>
      %dma_wait3A_59 = arith.constant 0 : i32
      %dma_wait3A_60 = tpu.memref_slice %arg5[%mul3A_34, %dma_wait3A_59] : memref<16384x2048xf32, #tpu.memory_space<hbm>> -> memref<1x2048xf32, #tpu.memory_space<hbm>>
      tpu.wait_dma2 semaphore(%arg9 : memref<!tpu.dma_semaphore, #tpu.memory_space<semaphore_mem>>) src(%dma_wait3A_60 : memref<1x2048xf32, #tpu.memory_space<hbm>>) dst(%dma_wait3A_58 : memref<1x2048xf32, #tpu.memory_space<vmem>>)
    }
    return
  }
}

module attributes {stable_mosaic.version = 14 : i64} {
  func.func @_precompute_body(%arg0: memref<256x2048xf32, #tpu.memory_space<vmem>>, %arg1: memref<1x2048xf32, #tpu.memory_space<vmem>>, %arg2: memref<2048x2048xf32, #tpu.memory_space<vmem>>, %arg3: memref<4x4096xi32, #tpu.memory_space<vmem>>, %arg4: memref<256x2048xf32, #tpu.memory_space<vmem>>, %arg5: memref<1x128xi32, #tpu.memory_space<vmem>>) attributes {dimension_semantics = [], scalar_prefetch = 0 : i64, scratch_operands = 0 : i64, tpu.core_type = #tpu.core_type<tc>} {
    %get3A = arith.constant 0 : index
    %get3A_0 = arith.constant 0 : index
    %get3A_1 = vector.load %arg0[%get3A, %get3A_0] : memref<256x2048xf32, #tpu.memory_space<vmem>>, vector<256x2048xf32>
    %mul3A = arith.mulf %get3A_1, %get3A_1 : vector<256x2048xf32>
    %reduce_sum3A = arith.constant dense<0.000000e+00> : vector<256xf32>
    %reduce_sum3A_2 = vector.multi_reduction <add>, %mul3A, %reduce_sum3A [1] : vector<256x2048xf32> to vector<256xf32>
    %broadcast_in_dim3A = vector.shape_cast %reduce_sum3A_2 : vector<256xf32> to vector<256x1xf32>
    %div3A = arith.constant 2.048000e+03 : f32
    %div3A_3 = vector.broadcast %div3A : f32 to vector<256x1xf32>
    %div3A_4 = arith.divf %broadcast_in_dim3A, %div3A_3 : vector<256x1xf32>
    %add3A = arith.constant 9.99999997E-7 : f32
    %add3A_5 = vector.broadcast %add3A : f32 to vector<256x1xf32>
    %add3A_6 = arith.addf %div3A_4, %add3A_5 : vector<256x1xf32>
    %rsqrt3A = math.rsqrt %add3A_6 : vector<256x1xf32>
    %mul3A_7 = vector.broadcast %rsqrt3A : vector<256x1xf32> to vector<256x2048xf32>
    %mul3A_8 = arith.mulf %get3A_1, %mul3A_7 : vector<256x2048xf32>
    %get3A_9 = arith.constant 0 : index
    %get3A_10 = arith.constant 0 : index
    %get3A_11 = vector.load %arg1[%get3A_9, %get3A_10] : memref<1x2048xf32, #tpu.memory_space<vmem>>, vector<1x2048xf32>
    %mul3A_12 = vector.broadcast %get3A_11 : vector<1x2048xf32> to vector<256x2048xf32>
    %mul3A_13 = arith.mulf %mul3A_8, %mul3A_12 : vector<256x2048xf32>
    %get3A_14 = arith.constant 0 : index
    %get3A_15 = arith.constant 0 : index
    %get3A_16 = vector.load %arg2[%get3A_14, %get3A_15] : memref<2048x2048xf32, #tpu.memory_space<vmem>>, vector<2048x2048xf32>
    %dot_general3A = arith.constant dense<0.000000e+00> : vector<256x2048xf32>
    %dot_general3A_17 = tpu.matmul %mul3A_13, %get3A_16, %dot_general3A {dimension_numbers = #tpu.dot_dimension_numbers<[1], [0], [0], [1], [0, 0, 1, 1], [], []>, transpose_lhs_hint = false} : vector<256x2048xf32>, vector<2048x2048xf32>, vector<256x2048xf32> -> vector<256x2048xf32>
    %mul3A_18 = arith.mulf %dot_general3A_17, %dot_general3A_17 : vector<256x2048xf32>
    %reduce_sum3A_19 = arith.constant dense<0.000000e+00> : vector<256xf32>
    %reduce_sum3A_20 = vector.multi_reduction <add>, %mul3A_18, %reduce_sum3A_19 [1] : vector<256x2048xf32> to vector<256xf32>
    %broadcast_in_dim3A_21 = vector.shape_cast %reduce_sum3A_20 : vector<256xf32> to vector<256x1xf32>
    %div3A_22 = arith.constant 2.048000e+03 : f32
    %div3A_23 = vector.broadcast %div3A_22 : f32 to vector<256x1xf32>
    %div3A_24 = arith.divf %broadcast_in_dim3A_21, %div3A_23 : vector<256x1xf32>
    %add3A_25 = arith.constant 9.99999997E-7 : f32
    %add3A_26 = vector.broadcast %add3A_25 : f32 to vector<256x1xf32>
    %add3A_27 = arith.addf %div3A_24, %add3A_26 : vector<256x1xf32>
    %rsqrt3A_28 = math.rsqrt %add3A_27 : vector<256x1xf32>
    %mul3A_29 = vector.broadcast %rsqrt3A_28 : vector<256x1xf32> to vector<256x2048xf32>
    %mul3A_30 = arith.mulf %dot_general3A_17, %mul3A_29 : vector<256x2048xf32>
    %swap3A = arith.constant 0 : index
    %swap3A_31 = arith.constant 0 : index
    %swap3A_32 = vector.load %arg4[%swap3A, %swap3A_31] : memref<256x2048xf32, #tpu.memory_space<vmem>>, vector<256x2048xf32>
    tpu.vector_store %arg4[%swap3A, %swap3A_31], %mul3A_30 {strides = array<i32>} : memref<256x2048xf32, #tpu.memory_space<vmem>>, vector<256x2048xf32>,
    %get3A_33 = arith.constant 0 : index
    %get3A_34 = arith.constant 0 : index
    %get3A_35 = vector.load %arg3[%get3A_33, %get3A_34] : memref<4x4096xi32, #tpu.memory_space<vmem>>, vector<4x4096xi32>
    %iota3A = tpu.iota {dimensions = array<i32: 1>} : vector<1x128xi32>
    %broadcast_in_dim3A_36 = arith.constant 0 : i32
    %broadcast_in_dim3A_37 = vector.broadcast %broadcast_in_dim3A_36 : i32 to vector<1x128xi32>
    %slice3A = vector.extract_strided_slice %get3A_35 {offsets = [0, 0], sizes = [1, 4096], strides = [1, 1]} : vector<4x4096xi32> to vector<1x4096xi32>
    %squeeze3A = vector.shape_cast %slice3A : vector<1x4096xi32> to vector<4096xi32>
    %ge3A = arith.constant 0 : i32
    %ge3A_38 = vector.broadcast %ge3A : i32 to vector<4096xi32>
    %ge3A_39 = arith.cmpi sge, %squeeze3A, %ge3A_38 : vector<4096xi32>
    %lt3A = arith.constant 32 : i32
    %lt3A_40 = vector.broadcast %lt3A : i32 to vector<4096xi32>
    %lt3A_41 = arith.cmpi slt, %squeeze3A, %lt3A_40 : vector<4096xi32>
    %and3A = arith.andi %ge3A_39, %lt3A_41 : vector<4096xi1>
    %convert_element_type3A = arith.extui %and3A : vector<4096xi1> to vector<4096xi32>
    %reduce_sum3A_42 = vector.shape_cast %convert_element_type3A : vector<4096xi32> to vector<1x4096xi32>
    %reduce_sum3A_43 = arith.constant dense<0> : vector<1xi32>
    %reduce_sum3A_44 = vector.multi_reduction <add>, %reduce_sum3A_42, %reduce_sum3A_43 [1] : vector<1x4096xi32> to vector<1xi32>
    %reduce_sum3A_45 = vector.shape_cast %reduce_sum3A_44 : vector<1xi32> to vector<1x1xi32>
    %reduce_sum3A_46 = vector.extract %reduce_sum3A_45[0, 0] : i32 from vector<1x1xi32>
    %eq3A = arith.constant 0 : i32
    %eq3A_47 = vector.broadcast %eq3A : i32 to vector<1x128xi32>
    %eq3A_48 = arith.cmpi eq, %iota3A, %eq3A_47 : vector<1x128xi32>
    %jit3A = arith.constant 0 : i32
    %broadcast_in_dim3A_49 = vector.broadcast %reduce_sum3A_46 : i32 to vector<1x128xi32>
    %broadcast_in_dim3A_50 = vector.broadcast %jit3A : i32 to vector<1x128xi32>
    %select_n3A = arith.select %eq3A_48, %broadcast_in_dim3A_49, %broadcast_in_dim3A_50 : vector<1x128xi1>, vector<1x128xi32>
    %add3A_51 = arith.addi %broadcast_in_dim3A_37, %select_n3A : vector<1x128xi32>
    %ge3A_52 = arith.constant 32 : i32
    %ge3A_53 = vector.broadcast %ge3A_52 : i32 to vector<4096xi32>
    %ge3A_54 = arith.cmpi sge, %squeeze3A, %ge3A_53 : vector<4096xi32>
    %lt3A_55 = arith.constant 64 : i32
    %lt3A_56 = vector.broadcast %lt3A_55 : i32 to vector<4096xi32>
    %lt3A_57 = arith.cmpi slt, %squeeze3A, %lt3A_56 : vector<4096xi32>
    %and3A_58 = arith.andi %ge3A_54, %lt3A_57 : vector<4096xi1>
    %convert_element_type3A_59 = arith.extui %and3A_58 : vector<4096xi1> to vector<4096xi32>
    %reduce_sum3A_60 = vector.shape_cast %convert_element_type3A_59 : vector<4096xi32> to vector<1x4096xi32>
    %reduce_sum3A_61 = arith.constant dense<0> : vector<1xi32>
    %reduce_sum3A_62 = vector.multi_reduction <add>, %reduce_sum3A_60, %reduce_sum3A_61 [1] : vector<1x4096xi32> to vector<1xi32>
    %reduce_sum3A_63 = vector.shape_cast %reduce_sum3A_62 : vector<1xi32> to vector<1x1xi32>
    %reduce_sum3A_64 = vector.extract %reduce_sum3A_63[0, 0] : i32 from vector<1x1xi32>
    %eq3A_65 = arith.constant 1 : i32
    %eq3A_66 = vector.broadcast %eq3A_65 : i32 to vector<1x128xi32>
    %eq3A_67 = arith.cmpi eq, %iota3A, %eq3A_66 : vector<1x128xi32>
    %jit3A_68 = arith.constant 0 : i32
    %broadcast_in_dim3A_69 = vector.broadcast %reduce_sum3A_64 : i32 to vector<1x128xi32>
    %broadcast_in_dim3A_70 = vector.broadcast %jit3A_68 : i32 to vector<1x128xi32>
    %select_n3A_71 = arith.select %eq3A_67, %broadcast_in_dim3A_69, %broadcast_in_dim3A_70 : vector<1x128xi1>, vector<1x128xi32>
    %add3A_72 = arith.addi %add3A_51, %select_n3A_71 : vector<1x128xi32>
    %ge3A_73 = arith.constant 64 : i32
    %ge3A_74 = vector.broadcast %ge3A_73 : i32 to vector<4096xi32>
    %ge3A_75 = arith.cmpi sge, %squeeze3A, %ge3A_74 : vector<4096xi32>
    %lt3A_76 = arith.constant 96 : i32
    %lt3A_77 = vector.broadcast %lt3A_76 : i32 to vector<4096xi32>
    %lt3A_78 = arith.cmpi slt, %squeeze3A, %lt3A_77 : vector<4096xi32>
    %and3A_79 = arith.andi %ge3A_75, %lt3A_78 : vector<4096xi1>
    %convert_element_type3A_80 = arith.extui %and3A_79 : vector<4096xi1> to vector<4096xi32>
    %reduce_sum3A_81 = vector.shape_cast %convert_element_type3A_80 : vector<4096xi32> to vector<1x4096xi32>
    %reduce_sum3A_82 = arith.constant dense<0> : vector<1xi32>
    %reduce_sum3A_83 = vector.multi_reduction <add>, %reduce_sum3A_81, %reduce_sum3A_82 [1] : vector<1x4096xi32> to vector<1xi32>
    %reduce_sum3A_84 = vector.shape_cast %reduce_sum3A_83 : vector<1xi32> to vector<1x1xi32>
    %reduce_sum3A_85 = vector.extract %reduce_sum3A_84[0, 0] : i32 from vector<1x1xi32>
    %eq3A_86 = arith.constant 2 : i32
    %eq3A_87 = vector.broadcast %eq3A_86 : i32 to vector<1x128xi32>
    %eq3A_88 = arith.cmpi eq, %iota3A, %eq3A_87 : vector<1x128xi32>
    %jit3A_89 = arith.constant 0 : i32
    %broadcast_in_dim3A_90 = vector.broadcast %reduce_sum3A_85 : i32 to vector<1x128xi32>
    %broadcast_in_dim3A_91 = vector.broadcast %jit3A_89 : i32 to vector<1x128xi32>
    %select_n3A_92 = arith.select %eq3A_88, %broadcast_in_dim3A_90, %broadcast_in_dim3A_91 : vector<1x128xi1>, vector<1x128xi32>
    %add3A_93 = arith.addi %add3A_72, %select_n3A_92 : vector<1x128xi32>
    %ge3A_94 = arith.constant 96 : i32
    %ge3A_95 = vector.broadcast %ge3A_94 : i32 to vector<4096xi32>
    %ge3A_96 = arith.cmpi sge, %squeeze3A, %ge3A_95 : vector<4096xi32>
    %lt3A_97 = arith.constant 128 : i32
    %lt3A_98 = vector.broadcast %lt3A_97 : i32 to vector<4096xi32>
    %lt3A_99 = arith.cmpi slt, %squeeze3A, %lt3A_98 : vector<4096xi32>
    %and3A_100 = arith.andi %ge3A_96, %lt3A_99 : vector<4096xi1>
    %convert_element_type3A_101 = arith.extui %and3A_100 : vector<4096xi1> to vector<4096xi32>
    %reduce_sum3A_102 = vector.shape_cast %convert_element_type3A_101 : vector<4096xi32> to vector<1x4096xi32>
    %reduce_sum3A_103 = arith.constant dense<0> : vector<1xi32>
    %reduce_sum3A_104 = vector.multi_reduction <add>, %reduce_sum3A_102, %reduce_sum3A_103 [1] : vector<1x4096xi32> to vector<1xi32>
    %reduce_sum3A_105 = vector.shape_cast %reduce_sum3A_104 : vector<1xi32> to vector<1x1xi32>
    %reduce_sum3A_106 = vector.extract %reduce_sum3A_105[0, 0] : i32 from vector<1x1xi32>
    %eq3A_107 = arith.constant 3 : i32
    %eq3A_108 = vector.broadcast %eq3A_107 : i32 to vector<1x128xi32>
    %eq3A_109 = arith.cmpi eq, %iota3A, %eq3A_108 : vector<1x128xi32>
    %jit3A_110 = arith.constant 0 : i32
    %broadcast_in_dim3A_111 = vector.broadcast %reduce_sum3A_106 : i32 to vector<1x128xi32>
    %broadcast_in_dim3A_112 = vector.broadcast %jit3A_110 : i32 to vector<1x128xi32>
    %select_n3A_113 = arith.select %eq3A_109, %broadcast_in_dim3A_111, %broadcast_in_dim3A_112 : vector<1x128xi1>, vector<1x128xi32>
    %add3A_114 = arith.addi %add3A_93, %select_n3A_113 : vector<1x128xi32>
    %ge3A_115 = arith.constant 128 : i32
    %ge3A_116 = vector.broadcast %ge3A_115 : i32 to vector<4096xi32>
    %ge3A_117 = arith.cmpi sge, %squeeze3A, %ge3A_116 : vector<4096xi32>
    %lt3A_118 = arith.constant 160 : i32
    %lt3A_119 = vector.broadcast %lt3A_118 : i32 to vector<4096xi32>
    %lt3A_120 = arith.cmpi slt, %squeeze3A, %lt3A_119 : vector<4096xi32>
    %and3A_121 = arith.andi %ge3A_117, %lt3A_120 : vector<4096xi1>
    %convert_element_type3A_122 = arith.extui %and3A_121 : vector<4096xi1> to vector<4096xi32>
    %reduce_sum3A_123 = vector.shape_cast %convert_element_type3A_122 : vector<4096xi32> to vector<1x4096xi32>
    %reduce_sum3A_124 = arith.constant dense<0> : vector<1xi32>
    %reduce_sum3A_125 = vector.multi_reduction <add>, %reduce_sum3A_123, %reduce_sum3A_124 [1] : vector<1x4096xi32> to vector<1xi32>
    %reduce_sum3A_126 = vector.shape_cast %reduce_sum3A_125 : vector<1xi32> to vector<1x1xi32>
    %reduce_sum3A_127 = vector.extract %reduce_sum3A_126[0, 0] : i32 from vector<1x1xi32>
    %eq3A_128 = arith.constant 4 : i32
    %eq3A_129 = vector.broadcast %eq3A_128 : i32 to vector<1x128xi32>
    %eq3A_130 = arith.cmpi eq, %iota3A, %eq3A_129 : vector<1x128xi32>
    %jit3A_131 = arith.constant 0 : i32
    %broadcast_in_dim3A_132 = vector.broadcast %reduce_sum3A_127 : i32 to vector<1x128xi32>
    %broadcast_in_dim3A_133 = vector.broadcast %jit3A_131 : i32 to vector<1x128xi32>
    %select_n3A_134 = arith.select %eq3A_130, %broadcast_in_dim3A_132, %broadcast_in_dim3A_133 : vector<1x128xi1>, vector<1x128xi32>
    %add3A_135 = arith.addi %add3A_114, %select_n3A_134 : vector<1x128xi32>
    %ge3A_136 = arith.constant 160 : i32
    %ge3A_137 = vector.broadcast %ge3A_136 : i32 to vector<4096xi32>
    %ge3A_138 = arith.cmpi sge, %squeeze3A, %ge3A_137 : vector<4096xi32>
    %lt3A_139 = arith.constant 192 : i32
    %lt3A_140 = vector.broadcast %lt3A_139 : i32 to vector<4096xi32>
    %lt3A_141 = arith.cmpi slt, %squeeze3A, %lt3A_140 : vector<4096xi32>
    %and3A_142 = arith.andi %ge3A_138, %lt3A_141 : vector<4096xi1>
    %convert_element_type3A_143 = arith.extui %and3A_142 : vector<4096xi1> to vector<4096xi32>
    %reduce_sum3A_144 = vector.shape_cast %convert_element_type3A_143 : vector<4096xi32> to vector<1x4096xi32>
    %reduce_sum3A_145 = arith.constant dense<0> : vector<1xi32>
    %reduce_sum3A_146 = vector.multi_reduction <add>, %reduce_sum3A_144, %reduce_sum3A_145 [1] : vector<1x4096xi32> to vector<1xi32>
    %reduce_sum3A_147 = vector.shape_cast %reduce_sum3A_146 : vector<1xi32> to vector<1x1xi32>
    %reduce_sum3A_148 = vector.extract %reduce_sum3A_147[0, 0] : i32 from vector<1x1xi32>
    %eq3A_149 = arith.constant 5 : i32
    %eq3A_150 = vector.broadcast %eq3A_149 : i32 to vector<1x128xi32>
    %eq3A_151 = arith.cmpi eq, %iota3A, %eq3A_150 : vector<1x128xi32>
    %jit3A_152 = arith.constant 0 : i32
    %broadcast_in_dim3A_153 = vector.broadcast %reduce_sum3A_148 : i32 to vector<1x128xi32>
    %broadcast_in_dim3A_154 = vector.broadcast %jit3A_152 : i32 to vector<1x128xi32>
    %select_n3A_155 = arith.select %eq3A_151, %broadcast_in_dim3A_153, %broadcast_in_dim3A_154 : vector<1x128xi1>, vector<1x128xi32>
    %add3A_156 = arith.addi %add3A_135, %select_n3A_155 : vector<1x128xi32>
    %ge3A_157 = arith.constant 192 : i32
    %ge3A_158 = vector.broadcast %ge3A_157 : i32 to vector<4096xi32>
    %ge3A_159 = arith.cmpi sge, %squeeze3A, %ge3A_158 : vector<4096xi32>
    %lt3A_160 = arith.constant 224 : i32
    %lt3A_161 = vector.broadcast %lt3A_160 : i32 to vector<4096xi32>
    %lt3A_162 = arith.cmpi slt, %squeeze3A, %lt3A_161 : vector<4096xi32>
    %and3A_163 = arith.andi %ge3A_159, %lt3A_162 : vector<4096xi1>
    %convert_element_type3A_164 = arith.extui %and3A_163 : vector<4096xi1> to vector<4096xi32>
    %reduce_sum3A_165 = vector.shape_cast %convert_element_type3A_164 : vector<4096xi32> to vector<1x4096xi32>
    %reduce_sum3A_166 = arith.constant dense<0> : vector<1xi32>
    %reduce_sum3A_167 = vector.multi_reduction <add>, %reduce_sum3A_165, %reduce_sum3A_166 [1] : vector<1x4096xi32> to vector<1xi32>
    %reduce_sum3A_168 = vector.shape_cast %reduce_sum3A_167 : vector<1xi32> to vector<1x1xi32>
    %reduce_sum3A_169 = vector.extract %reduce_sum3A_168[0, 0] : i32 from vector<1x1xi32>
    %eq3A_170 = arith.constant 6 : i32
    %eq3A_171 = vector.broadcast %eq3A_170 : i32 to vector<1x128xi32>
    %eq3A_172 = arith.cmpi eq, %iota3A, %eq3A_171 : vector<1x128xi32>
    %jit3A_173 = arith.constant 0 : i32
    %broadcast_in_dim3A_174 = vector.broadcast %reduce_sum3A_169 : i32 to vector<1x128xi32>
    %broadcast_in_dim3A_175 = vector.broadcast %jit3A_173 : i32 to vector<1x128xi32>
    %select_n3A_176 = arith.select %eq3A_172, %broadcast_in_dim3A_174, %broadcast_in_dim3A_175 : vector<1x128xi1>, vector<1x128xi32>
    %add3A_177 = arith.addi %add3A_156, %select_n3A_176 : vector<1x128xi32>
    %ge3A_178 = arith.constant 224 : i32
    %ge3A_179 = vector.broadcast %ge3A_178 : i32 to vector<4096xi32>
    %ge3A_180 = arith.cmpi sge, %squeeze3A, %ge3A_179 : vector<4096xi32>
    %lt3A_181 = arith.constant 256 : i32
    %lt3A_182 = vector.broadcast %lt3A_181 : i32 to vector<4096xi32>
    %lt3A_183 = arith.cmpi slt, %squeeze3A, %lt3A_182 : vector<4096xi32>
    %and3A_184 = arith.andi %ge3A_180, %lt3A_183 : vector<4096xi1>
    %convert_element_type3A_185 = arith.extui %and3A_184 : vector<4096xi1> to vector<4096xi32>
    %reduce_sum3A_186 = vector.shape_cast %convert_element_type3A_185 : vector<4096xi32> to vector<1x4096xi32>
    %reduce_sum3A_187 = arith.constant dense<0> : vector<1xi32>
    %reduce_sum3A_188 = vector.multi_reduction <add>, %reduce_sum3A_186, %reduce_sum3A_187 [1] : vector<1x4096xi32> to vector<1xi32>
    %reduce_sum3A_189 = vector.shape_cast %reduce_sum3A_188 : vector<1xi32> to vector<1x1xi32>
    %reduce_sum3A_190 = vector.extract %reduce_sum3A_189[0, 0] : i32 from vector<1x1xi32>
    %eq3A_191 = arith.constant 7 : i32
    %eq3A_192 = vector.broadcast %eq3A_191 : i32 to vector<1x128xi32>
    %eq3A_193 = arith.cmpi eq, %iota3A, %eq3A_192 : vector<1x128xi32>
    %jit3A_194 = arith.constant 0 : i32
    %broadcast_in_dim3A_195 = vector.broadcast %reduce_sum3A_190 : i32 to vector<1x128xi32>
    %broadcast_in_dim3A_196 = vector.broadcast %jit3A_194 : i32 to vector<1x128xi32>
    %select_n3A_197 = arith.select %eq3A_193, %broadcast_in_dim3A_195, %broadcast_in_dim3A_196 : vector<1x128xi1>, vector<1x128xi32>
    %add3A_198 = arith.addi %add3A_177, %select_n3A_197 : vector<1x128xi32>
    %slice3A_199 = vector.extract_strided_slice %get3A_35 {offsets = [1, 0], sizes = [1, 4096], strides = [1, 1]} : vector<4x4096xi32> to vector<1x4096xi32>
    %squeeze3A_200 = vector.shape_cast %slice3A_199 : vector<1x4096xi32> to vector<4096xi32>
    %ge3A_201 = arith.constant 0 : i32
    %ge3A_202 = vector.broadcast %ge3A_201 : i32 to vector<4096xi32>
    %ge3A_203 = arith.cmpi sge, %squeeze3A_200, %ge3A_202 : vector<4096xi32>
    %lt3A_204 = arith.constant 32 : i32
    %lt3A_205 = vector.broadcast %lt3A_204 : i32 to vector<4096xi32>
    %lt3A_206 = arith.cmpi slt, %squeeze3A_200, %lt3A_205 : vector<4096xi32>
    %and3A_207 = arith.andi %ge3A_203, %lt3A_206 : vector<4096xi1>
    %convert_element_type3A_208 = arith.extui %and3A_207 : vector<4096xi1> to vector<4096xi32>
    %reduce_sum3A_209 = vector.shape_cast %convert_element_type3A_208 : vector<4096xi32> to vector<1x4096xi32>
    %reduce_sum3A_210 = arith.constant dense<0> : vector<1xi32>
    %reduce_sum3A_211 = vector.multi_reduction <add>, %reduce_sum3A_209, %reduce_sum3A_210 [1] : vector<1x4096xi32> to vector<1xi32>
    %reduce_sum3A_212 = vector.shape_cast %reduce_sum3A_211 : vector<1xi32> to vector<1x1xi32>
    %reduce_sum3A_213 = vector.extract %reduce_sum3A_212[0, 0] : i32 from vector<1x1xi32>
    %eq3A_214 = arith.constant 8 : i32
    %eq3A_215 = vector.broadcast %eq3A_214 : i32 to vector<1x128xi32>
    %eq3A_216 = arith.cmpi eq, %iota3A, %eq3A_215 : vector<1x128xi32>
    %jit3A_217 = arith.constant 0 : i32
    %broadcast_in_dim3A_218 = vector.broadcast %reduce_sum3A_213 : i32 to vector<1x128xi32>
    %broadcast_in_dim3A_219 = vector.broadcast %jit3A_217 : i32 to vector<1x128xi32>
    %select_n3A_220 = arith.select %eq3A_216, %broadcast_in_dim3A_218, %broadcast_in_dim3A_219 : vector<1x128xi1>, vector<1x128xi32>
    %add3A_221 = arith.addi %add3A_198, %select_n3A_220 : vector<1x128xi32>
    %ge3A_222 = arith.constant 32 : i32
    %ge3A_223 = vector.broadcast %ge3A_222 : i32 to vector<4096xi32>
    %ge3A_224 = arith.cmpi sge, %squeeze3A_200, %ge3A_223 : vector<4096xi32>
    %lt3A_225 = arith.constant 64 : i32
    %lt3A_226 = vector.broadcast %lt3A_225 : i32 to vector<4096xi32>
    %lt3A_227 = arith.cmpi slt, %squeeze3A_200, %lt3A_226 : vector<4096xi32>
    %and3A_228 = arith.andi %ge3A_224, %lt3A_227 : vector<4096xi1>
    %convert_element_type3A_229 = arith.extui %and3A_228 : vector<4096xi1> to vector<4096xi32>
    %reduce_sum3A_230 = vector.shape_cast %convert_element_type3A_229 : vector<4096xi32> to vector<1x4096xi32>
    %reduce_sum3A_231 = arith.constant dense<0> : vector<1xi32>
    %reduce_sum3A_232 = vector.multi_reduction <add>, %reduce_sum3A_230, %reduce_sum3A_231 [1] : vector<1x4096xi32> to vector<1xi32>
    %reduce_sum3A_233 = vector.shape_cast %reduce_sum3A_232 : vector<1xi32> to vector<1x1xi32>
    %reduce_sum3A_234 = vector.extract %reduce_sum3A_233[0, 0] : i32 from vector<1x1xi32>
    %eq3A_235 = arith.constant 9 : i32
    %eq3A_236 = vector.broadcast %eq3A_235 : i32 to vector<1x128xi32>
    %eq3A_237 = arith.cmpi eq, %iota3A, %eq3A_236 : vector<1x128xi32>
    %jit3A_238 = arith.constant 0 : i32
    %broadcast_in_dim3A_239 = vector.broadcast %reduce_sum3A_234 : i32 to vector<1x128xi32>
    %broadcast_in_dim3A_240 = vector.broadcast %jit3A_238 : i32 to vector<1x128xi32>
    %select_n3A_241 = arith.select %eq3A_237, %broadcast_in_dim3A_239, %broadcast_in_dim3A_240 : vector<1x128xi1>, vector<1x128xi32>
    %add3A_242 = arith.addi %add3A_221, %select_n3A_241 : vector<1x128xi32>
    %ge3A_243 = arith.constant 64 : i32
    %ge3A_244 = vector.broadcast %ge3A_243 : i32 to vector<4096xi32>
    %ge3A_245 = arith.cmpi sge, %squeeze3A_200, %ge3A_244 : vector<4096xi32>
    %lt3A_246 = arith.constant 96 : i32
    %lt3A_247 = vector.broadcast %lt3A_246 : i32 to vector<4096xi32>
    %lt3A_248 = arith.cmpi slt, %squeeze3A_200, %lt3A_247 : vector<4096xi32>
    %and3A_249 = arith.andi %ge3A_245, %lt3A_248 : vector<4096xi1>
    %convert_element_type3A_250 = arith.extui %and3A_249 : vector<4096xi1> to vector<4096xi32>
    %reduce_sum3A_251 = vector.shape_cast %convert_element_type3A_250 : vector<4096xi32> to vector<1x4096xi32>
    %reduce_sum3A_252 = arith.constant dense<0> : vector<1xi32>
    %reduce_sum3A_253 = vector.multi_reduction <add>, %reduce_sum3A_251, %reduce_sum3A_252 [1] : vector<1x4096xi32> to vector<1xi32>
    %reduce_sum3A_254 = vector.shape_cast %reduce_sum3A_253 : vector<1xi32> to vector<1x1xi32>
    %reduce_sum3A_255 = vector.extract %reduce_sum3A_254[0, 0] : i32 from vector<1x1xi32>
    %eq3A_256 = arith.constant 10 : i32
    %eq3A_257 = vector.broadcast %eq3A_256 : i32 to vector<1x128xi32>
    %eq3A_258 = arith.cmpi eq, %iota3A, %eq3A_257 : vector<1x128xi32>
    %jit3A_259 = arith.constant 0 : i32
    %broadcast_in_dim3A_260 = vector.broadcast %reduce_sum3A_255 : i32 to vector<1x128xi32>
    %broadcast_in_dim3A_261 = vector.broadcast %jit3A_259 : i32 to vector<1x128xi32>
    %select_n3A_262 = arith.select %eq3A_258, %broadcast_in_dim3A_260, %broadcast_in_dim3A_261 : vector<1x128xi1>, vector<1x128xi32>
    %add3A_263 = arith.addi %add3A_242, %select_n3A_262 : vector<1x128xi32>
    %ge3A_264 = arith.constant 96 : i32
    %ge3A_265 = vector.broadcast %ge3A_264 : i32 to vector<4096xi32>
    %ge3A_266 = arith.cmpi sge, %squeeze3A_200, %ge3A_265 : vector<4096xi32>
    %lt3A_267 = arith.constant 128 : i32
    %lt3A_268 = vector.broadcast %lt3A_267 : i32 to vector<4096xi32>
    %lt3A_269 = arith.cmpi slt, %squeeze3A_200, %lt3A_268 : vector<4096xi32>
    %and3A_270 = arith.andi %ge3A_266, %lt3A_269 : vector<4096xi1>
    %convert_element_type3A_271 = arith.extui %and3A_270 : vector<4096xi1> to vector<4096xi32>
    %reduce_sum3A_272 = vector.shape_cast %convert_element_type3A_271 : vector<4096xi32> to vector<1x4096xi32>
    %reduce_sum3A_273 = arith.constant dense<0> : vector<1xi32>
    %reduce_sum3A_274 = vector.multi_reduction <add>, %reduce_sum3A_272, %reduce_sum3A_273 [1] : vector<1x4096xi32> to vector<1xi32>
    %reduce_sum3A_275 = vector.shape_cast %reduce_sum3A_274 : vector<1xi32> to vector<1x1xi32>
    %reduce_sum3A_276 = vector.extract %reduce_sum3A_275[0, 0] : i32 from vector<1x1xi32>
    %eq3A_277 = arith.constant 11 : i32
    %eq3A_278 = vector.broadcast %eq3A_277 : i32 to vector<1x128xi32>
    %eq3A_279 = arith.cmpi eq, %iota3A, %eq3A_278 : vector<1x128xi32>
    %jit3A_280 = arith.constant 0 : i32
    %broadcast_in_dim3A_281 = vector.broadcast %reduce_sum3A_276 : i32 to vector<1x128xi32>
    %broadcast_in_dim3A_282 = vector.broadcast %jit3A_280 : i32 to vector<1x128xi32>
    %select_n3A_283 = arith.select %eq3A_279, %broadcast_in_dim3A_281, %broadcast_in_dim3A_282 : vector<1x128xi1>, vector<1x128xi32>
    %add3A_284 = arith.addi %add3A_263, %select_n3A_283 : vector<1x128xi32>
    %ge3A_285 = arith.constant 128 : i32
    %ge3A_286 = vector.broadcast %ge3A_285 : i32 to vector<4096xi32>
    %ge3A_287 = arith.cmpi sge, %squeeze3A_200, %ge3A_286 : vector<4096xi32>
    %lt3A_288 = arith.constant 160 : i32
    %lt3A_289 = vector.broadcast %lt3A_288 : i32 to vector<4096xi32>
    %lt3A_290 = arith.cmpi slt, %squeeze3A_200, %lt3A_289 : vector<4096xi32>
    %and3A_291 = arith.andi %ge3A_287, %lt3A_290 : vector<4096xi1>
    %convert_element_type3A_292 = arith.extui %and3A_291 : vector<4096xi1> to vector<4096xi32>
    %reduce_sum3A_293 = vector.shape_cast %convert_element_type3A_292 : vector<4096xi32> to vector<1x4096xi32>
    %reduce_sum3A_294 = arith.constant dense<0> : vector<1xi32>
    %reduce_sum3A_295 = vector.multi_reduction <add>, %reduce_sum3A_293, %reduce_sum3A_294 [1] : vector<1x4096xi32> to vector<1xi32>
    %reduce_sum3A_296 = vector.shape_cast %reduce_sum3A_295 : vector<1xi32> to vector<1x1xi32>
    %reduce_sum3A_297 = vector.extract %reduce_sum3A_296[0, 0] : i32 from vector<1x1xi32>
    %eq3A_298 = arith.constant 12 : i32
    %eq3A_299 = vector.broadcast %eq3A_298 : i32 to vector<1x128xi32>
    %eq3A_300 = arith.cmpi eq, %iota3A, %eq3A_299 : vector<1x128xi32>
    %jit3A_301 = arith.constant 0 : i32
    %broadcast_in_dim3A_302 = vector.broadcast %reduce_sum3A_297 : i32 to vector<1x128xi32>
    %broadcast_in_dim3A_303 = vector.broadcast %jit3A_301 : i32 to vector<1x128xi32>
    %select_n3A_304 = arith.select %eq3A_300, %broadcast_in_dim3A_302, %broadcast_in_dim3A_303 : vector<1x128xi1>, vector<1x128xi32>
    %add3A_305 = arith.addi %add3A_284, %select_n3A_304 : vector<1x128xi32>
    %ge3A_306 = arith.constant 160 : i32
    %ge3A_307 = vector.broadcast %ge3A_306 : i32 to vector<4096xi32>
    %ge3A_308 = arith.cmpi sge, %squeeze3A_200, %ge3A_307 : vector<4096xi32>
    %lt3A_309 = arith.constant 192 : i32
    %lt3A_310 = vector.broadcast %lt3A_309 : i32 to vector<4096xi32>
    %lt3A_311 = arith.cmpi slt, %squeeze3A_200, %lt3A_310 : vector<4096xi32>
    %and3A_312 = arith.andi %ge3A_308, %lt3A_311 : vector<4096xi1>
    %convert_element_type3A_313 = arith.extui %and3A_312 : vector<4096xi1> to vector<4096xi32>
    %reduce_sum3A_314 = vector.shape_cast %convert_element_type3A_313 : vector<4096xi32> to vector<1x4096xi32>
    %reduce_sum3A_315 = arith.constant dense<0> : vector<1xi32>
    %reduce_sum3A_316 = vector.multi_reduction <add>, %reduce_sum3A_314, %reduce_sum3A_315 [1] : vector<1x4096xi32> to vector<1xi32>
    %reduce_sum3A_317 = vector.shape_cast %reduce_sum3A_316 : vector<1xi32> to vector<1x1xi32>
    %reduce_sum3A_318 = vector.extract %reduce_sum3A_317[0, 0] : i32 from vector<1x1xi32>
    %eq3A_319 = arith.constant 13 : i32
    %eq3A_320 = vector.broadcast %eq3A_319 : i32 to vector<1x128xi32>
    %eq3A_321 = arith.cmpi eq, %iota3A, %eq3A_320 : vector<1x128xi32>
    %jit3A_322 = arith.constant 0 : i32
    %broadcast_in_dim3A_323 = vector.broadcast %reduce_sum3A_318 : i32 to vector<1x128xi32>
    %broadcast_in_dim3A_324 = vector.broadcast %jit3A_322 : i32 to vector<1x128xi32>
    %select_n3A_325 = arith.select %eq3A_321, %broadcast_in_dim3A_323, %broadcast_in_dim3A_324 : vector<1x128xi1>, vector<1x128xi32>
    %add3A_326 = arith.addi %add3A_305, %select_n3A_325 : vector<1x128xi32>
    %ge3A_327 = arith.constant 192 : i32
    %ge3A_328 = vector.broadcast %ge3A_327 : i32 to vector<4096xi32>
    %ge3A_329 = arith.cmpi sge, %squeeze3A_200, %ge3A_328 : vector<4096xi32>
    %lt3A_330 = arith.constant 224 : i32
    %lt3A_331 = vector.broadcast %lt3A_330 : i32 to vector<4096xi32>
    %lt3A_332 = arith.cmpi slt, %squeeze3A_200, %lt3A_331 : vector<4096xi32>
    %and3A_333 = arith.andi %ge3A_329, %lt3A_332 : vector<4096xi1>
    %convert_element_type3A_334 = arith.extui %and3A_333 : vector<4096xi1> to vector<4096xi32>
    %reduce_sum3A_335 = vector.shape_cast %convert_element_type3A_334 : vector<4096xi32> to vector<1x4096xi32>
    %reduce_sum3A_336 = arith.constant dense<0> : vector<1xi32>
    %reduce_sum3A_337 = vector.multi_reduction <add>, %reduce_sum3A_335, %reduce_sum3A_336 [1] : vector<1x4096xi32> to vector<1xi32>
    %reduce_sum3A_338 = vector.shape_cast %reduce_sum3A_337 : vector<1xi32> to vector<1x1xi32>
    %reduce_sum3A_339 = vector.extract %reduce_sum3A_338[0, 0] : i32 from vector<1x1xi32>
    %eq3A_340 = arith.constant 14 : i32
    %eq3A_341 = vector.broadcast %eq3A_340 : i32 to vector<1x128xi32>
    %eq3A_342 = arith.cmpi eq, %iota3A, %eq3A_341 : vector<1x128xi32>
    %jit3A_343 = arith.constant 0 : i32
    %broadcast_in_dim3A_344 = vector.broadcast %reduce_sum3A_339 : i32 to vector<1x128xi32>
    %broadcast_in_dim3A_345 = vector.broadcast %jit3A_343 : i32 to vector<1x128xi32>
    %select_n3A_346 = arith.select %eq3A_342, %broadcast_in_dim3A_344, %broadcast_in_dim3A_345 : vector<1x128xi1>, vector<1x128xi32>
    %add3A_347 = arith.addi %add3A_326, %select_n3A_346 : vector<1x128xi32>
    %ge3A_348 = arith.constant 224 : i32
    %ge3A_349 = vector.broadcast %ge3A_348 : i32 to vector<4096xi32>
    %ge3A_350 = arith.cmpi sge, %squeeze3A_200, %ge3A_349 : vector<4096xi32>
    %lt3A_351 = arith.constant 256 : i32
    %lt3A_352 = vector.broadcast %lt3A_351 : i32 to vector<4096xi32>
    %lt3A_353 = arith.cmpi slt, %squeeze3A_200, %lt3A_352 : vector<4096xi32>
    %and3A_354 = arith.andi %ge3A_350, %lt3A_353 : vector<4096xi1>
    %convert_element_type3A_355 = arith.extui %and3A_354 : vector<4096xi1> to vector<4096xi32>
    %reduce_sum3A_356 = vector.shape_cast %convert_element_type3A_355 : vector<4096xi32> to vector<1x4096xi32>
    %reduce_sum3A_357 = arith.constant dense<0> : vector<1xi32>
    %reduce_sum3A_358 = vector.multi_reduction <add>, %reduce_sum3A_356, %reduce_sum3A_357 [1] : vector<1x4096xi32> to vector<1xi32>
    %reduce_sum3A_359 = vector.shape_cast %reduce_sum3A_358 : vector<1xi32> to vector<1x1xi32>
    %reduce_sum3A_360 = vector.extract %reduce_sum3A_359[0, 0] : i32 from vector<1x1xi32>
    %eq3A_361 = arith.constant 15 : i32
    %eq3A_362 = vector.broadcast %eq3A_361 : i32 to vector<1x128xi32>
    %eq3A_363 = arith.cmpi eq, %iota3A, %eq3A_362 : vector<1x128xi32>
    %jit3A_364 = arith.constant 0 : i32
    %broadcast_in_dim3A_365 = vector.broadcast %reduce_sum3A_360 : i32 to vector<1x128xi32>
    %broadcast_in_dim3A_366 = vector.broadcast %jit3A_364 : i32 to vector<1x128xi32>
    %select_n3A_367 = arith.select %eq3A_363, %broadcast_in_dim3A_365, %broadcast_in_dim3A_366 : vector<1x128xi1>, vector<1x128xi32>
    %add3A_368 = arith.addi %add3A_347, %select_n3A_367 : vector<1x128xi32>
    %slice3A_369 = vector.extract_strided_slice %get3A_35 {offsets = [2, 0], sizes = [1, 4096], strides = [1, 1]} : vector<4x4096xi32> to vector<1x4096xi32>
    %squeeze3A_370 = vector.shape_cast %slice3A_369 : vector<1x4096xi32> to vector<4096xi32>
    %ge3A_371 = arith.constant 0 : i32
    %ge3A_372 = vector.broadcast %ge3A_371 : i32 to vector<4096xi32>
    %ge3A_373 = arith.cmpi sge, %squeeze3A_370, %ge3A_372 : vector<4096xi32>
    %lt3A_374 = arith.constant 32 : i32
    %lt3A_375 = vector.broadcast %lt3A_374 : i32 to vector<4096xi32>
    %lt3A_376 = arith.cmpi slt, %squeeze3A_370, %lt3A_375 : vector<4096xi32>
    %and3A_377 = arith.andi %ge3A_373, %lt3A_376 : vector<4096xi1>
    %convert_element_type3A_378 = arith.extui %and3A_377 : vector<4096xi1> to vector<4096xi32>
    %reduce_sum3A_379 = vector.shape_cast %convert_element_type3A_378 : vector<4096xi32> to vector<1x4096xi32>
    %reduce_sum3A_380 = arith.constant dense<0> : vector<1xi32>
    %reduce_sum3A_381 = vector.multi_reduction <add>, %reduce_sum3A_379, %reduce_sum3A_380 [1] : vector<1x4096xi32> to vector<1xi32>
    %reduce_sum3A_382 = vector.shape_cast %reduce_sum3A_381 : vector<1xi32> to vector<1x1xi32>
    %reduce_sum3A_383 = vector.extract %reduce_sum3A_382[0, 0] : i32 from vector<1x1xi32>
    %eq3A_384 = arith.constant 16 : i32
    %eq3A_385 = vector.broadcast %eq3A_384 : i32 to vector<1x128xi32>
    %eq3A_386 = arith.cmpi eq, %iota3A, %eq3A_385 : vector<1x128xi32>
    %jit3A_387 = arith.constant 0 : i32
    %broadcast_in_dim3A_388 = vector.broadcast %reduce_sum3A_383 : i32 to vector<1x128xi32>
    %broadcast_in_dim3A_389 = vector.broadcast %jit3A_387 : i32 to vector<1x128xi32>
    %select_n3A_390 = arith.select %eq3A_386, %broadcast_in_dim3A_388, %broadcast_in_dim3A_389 : vector<1x128xi1>, vector<1x128xi32>
    %add3A_391 = arith.addi %add3A_368, %select_n3A_390 : vector<1x128xi32>
    %ge3A_392 = arith.constant 32 : i32
    %ge3A_393 = vector.broadcast %ge3A_392 : i32 to vector<4096xi32>
    %ge3A_394 = arith.cmpi sge, %squeeze3A_370, %ge3A_393 : vector<4096xi32>
    %lt3A_395 = arith.constant 64 : i32
    %lt3A_396 = vector.broadcast %lt3A_395 : i32 to vector<4096xi32>
    %lt3A_397 = arith.cmpi slt, %squeeze3A_370, %lt3A_396 : vector<4096xi32>
    %and3A_398 = arith.andi %ge3A_394, %lt3A_397 : vector<4096xi1>
    %convert_element_type3A_399 = arith.extui %and3A_398 : vector<4096xi1> to vector<4096xi32>
    %reduce_sum3A_400 = vector.shape_cast %convert_element_type3A_399 : vector<4096xi32> to vector<1x4096xi32>
    %reduce_sum3A_401 = arith.constant dense<0> : vector<1xi32>
    %reduce_sum3A_402 = vector.multi_reduction <add>, %reduce_sum3A_400, %reduce_sum3A_401 [1] : vector<1x4096xi32> to vector<1xi32>
    %reduce_sum3A_403 = vector.shape_cast %reduce_sum3A_402 : vector<1xi32> to vector<1x1xi32>
    %reduce_sum3A_404 = vector.extract %reduce_sum3A_403[0, 0] : i32 from vector<1x1xi32>
    %eq3A_405 = arith.constant 17 : i32
    %eq3A_406 = vector.broadcast %eq3A_405 : i32 to vector<1x128xi32>
    %eq3A_407 = arith.cmpi eq, %iota3A, %eq3A_406 : vector<1x128xi32>
    %jit3A_408 = arith.constant 0 : i32
    %broadcast_in_dim3A_409 = vector.broadcast %reduce_sum3A_404 : i32 to vector<1x128xi32>
    %broadcast_in_dim3A_410 = vector.broadcast %jit3A_408 : i32 to vector<1x128xi32>
    %select_n3A_411 = arith.select %eq3A_407, %broadcast_in_dim3A_409, %broadcast_in_dim3A_410 : vector<1x128xi1>, vector<1x128xi32>
    %add3A_412 = arith.addi %add3A_391, %select_n3A_411 : vector<1x128xi32>
    %ge3A_413 = arith.constant 64 : i32
    %ge3A_414 = vector.broadcast %ge3A_413 : i32 to vector<4096xi32>
    %ge3A_415 = arith.cmpi sge, %squeeze3A_370, %ge3A_414 : vector<4096xi32>
    %lt3A_416 = arith.constant 96 : i32
    %lt3A_417 = vector.broadcast %lt3A_416 : i32 to vector<4096xi32>
    %lt3A_418 = arith.cmpi slt, %squeeze3A_370, %lt3A_417 : vector<4096xi32>
    %and3A_419 = arith.andi %ge3A_415, %lt3A_418 : vector<4096xi1>
    %convert_element_type3A_420 = arith.extui %and3A_419 : vector<4096xi1> to vector<4096xi32>
    %reduce_sum3A_421 = vector.shape_cast %convert_element_type3A_420 : vector<4096xi32> to vector<1x4096xi32>
    %reduce_sum3A_422 = arith.constant dense<0> : vector<1xi32>
    %reduce_sum3A_423 = vector.multi_reduction <add>, %reduce_sum3A_421, %reduce_sum3A_422 [1] : vector<1x4096xi32> to vector<1xi32>
    %reduce_sum3A_424 = vector.shape_cast %reduce_sum3A_423 : vector<1xi32> to vector<1x1xi32>
    %reduce_sum3A_425 = vector.extract %reduce_sum3A_424[0, 0] : i32 from vector<1x1xi32>
    %eq3A_426 = arith.constant 18 : i32
    %eq3A_427 = vector.broadcast %eq3A_426 : i32 to vector<1x128xi32>
    %eq3A_428 = arith.cmpi eq, %iota3A, %eq3A_427 : vector<1x128xi32>
    %jit3A_429 = arith.constant 0 : i32
    %broadcast_in_dim3A_430 = vector.broadcast %reduce_sum3A_425 : i32 to vector<1x128xi32>
    %broadcast_in_dim3A_431 = vector.broadcast %jit3A_429 : i32 to vector<1x128xi32>
    %select_n3A_432 = arith.select %eq3A_428, %broadcast_in_dim3A_430, %broadcast_in_dim3A_431 : vector<1x128xi1>, vector<1x128xi32>
    %add3A_433 = arith.addi %add3A_412, %select_n3A_432 : vector<1x128xi32>
    %ge3A_434 = arith.constant 96 : i32
    %ge3A_435 = vector.broadcast %ge3A_434 : i32 to vector<4096xi32>
    %ge3A_436 = arith.cmpi sge, %squeeze3A_370, %ge3A_435 : vector<4096xi32>
    %lt3A_437 = arith.constant 128 : i32
    %lt3A_438 = vector.broadcast %lt3A_437 : i32 to vector<4096xi32>
    %lt3A_439 = arith.cmpi slt, %squeeze3A_370, %lt3A_438 : vector<4096xi32>
    %and3A_440 = arith.andi %ge3A_436, %lt3A_439 : vector<4096xi1>
    %convert_element_type3A_441 = arith.extui %and3A_440 : vector<4096xi1> to vector<4096xi32>
    %reduce_sum3A_442 = vector.shape_cast %convert_element_type3A_441 : vector<4096xi32> to vector<1x4096xi32>
    %reduce_sum3A_443 = arith.constant dense<0> : vector<1xi32>
    %reduce_sum3A_444 = vector.multi_reduction <add>, %reduce_sum3A_442, %reduce_sum3A_443 [1] : vector<1x4096xi32> to vector<1xi32>
    %reduce_sum3A_445 = vector.shape_cast %reduce_sum3A_444 : vector<1xi32> to vector<1x1xi32>
    %reduce_sum3A_446 = vector.extract %reduce_sum3A_445[0, 0] : i32 from vector<1x1xi32>
    %eq3A_447 = arith.constant 19 : i32
    %eq3A_448 = vector.broadcast %eq3A_447 : i32 to vector<1x128xi32>
    %eq3A_449 = arith.cmpi eq, %iota3A, %eq3A_448 : vector<1x128xi32>
    %jit3A_450 = arith.constant 0 : i32
    %broadcast_in_dim3A_451 = vector.broadcast %reduce_sum3A_446 : i32 to vector<1x128xi32>
    %broadcast_in_dim3A_452 = vector.broadcast %jit3A_450 : i32 to vector<1x128xi32>
    %select_n3A_453 = arith.select %eq3A_449, %broadcast_in_dim3A_451, %broadcast_in_dim3A_452 : vector<1x128xi1>, vector<1x128xi32>
    %add3A_454 = arith.addi %add3A_433, %select_n3A_453 : vector<1x128xi32>
    %ge3A_455 = arith.constant 128 : i32
    %ge3A_456 = vector.broadcast %ge3A_455 : i32 to vector<4096xi32>
    %ge3A_457 = arith.cmpi sge, %squeeze3A_370, %ge3A_456 : vector<4096xi32>
    %lt3A_458 = arith.constant 160 : i32
    %lt3A_459 = vector.broadcast %lt3A_458 : i32 to vector<4096xi32>
    %lt3A_460 = arith.cmpi slt, %squeeze3A_370, %lt3A_459 : vector<4096xi32>
    %and3A_461 = arith.andi %ge3A_457, %lt3A_460 : vector<4096xi1>
    %convert_element_type3A_462 = arith.extui %and3A_461 : vector<4096xi1> to vector<4096xi32>
    %reduce_sum3A_463 = vector.shape_cast %convert_element_type3A_462 : vector<4096xi32> to vector<1x4096xi32>
    %reduce_sum3A_464 = arith.constant dense<0> : vector<1xi32>
    %reduce_sum3A_465 = vector.multi_reduction <add>, %reduce_sum3A_463, %reduce_sum3A_464 [1] : vector<1x4096xi32> to vector<1xi32>
    %reduce_sum3A_466 = vector.shape_cast %reduce_sum3A_465 : vector<1xi32> to vector<1x1xi32>
    %reduce_sum3A_467 = vector.extract %reduce_sum3A_466[0, 0] : i32 from vector<1x1xi32>
    %eq3A_468 = arith.constant 20 : i32
    %eq3A_469 = vector.broadcast %eq3A_468 : i32 to vector<1x128xi32>
    %eq3A_470 = arith.cmpi eq, %iota3A, %eq3A_469 : vector<1x128xi32>
    %jit3A_471 = arith.constant 0 : i32
    %broadcast_in_dim3A_472 = vector.broadcast %reduce_sum3A_467 : i32 to vector<1x128xi32>
    %broadcast_in_dim3A_473 = vector.broadcast %jit3A_471 : i32 to vector<1x128xi32>
    %select_n3A_474 = arith.select %eq3A_470, %broadcast_in_dim3A_472, %broadcast_in_dim3A_473 : vector<1x128xi1>, vector<1x128xi32>
    %add3A_475 = arith.addi %add3A_454, %select_n3A_474 : vector<1x128xi32>
    %ge3A_476 = arith.constant 160 : i32
    %ge3A_477 = vector.broadcast %ge3A_476 : i32 to vector<4096xi32>
    %ge3A_478 = arith.cmpi sge, %squeeze3A_370, %ge3A_477 : vector<4096xi32>
    %lt3A_479 = arith.constant 192 : i32
    %lt3A_480 = vector.broadcast %lt3A_479 : i32 to vector<4096xi32>
    %lt3A_481 = arith.cmpi slt, %squeeze3A_370, %lt3A_480 : vector<4096xi32>
    %and3A_482 = arith.andi %ge3A_478, %lt3A_481 : vector<4096xi1>
    %convert_element_type3A_483 = arith.extui %and3A_482 : vector<4096xi1> to vector<4096xi32>
    %reduce_sum3A_484 = vector.shape_cast %convert_element_type3A_483 : vector<4096xi32> to vector<1x4096xi32>
    %reduce_sum3A_485 = arith.constant dense<0> : vector<1xi32>
    %reduce_sum3A_486 = vector.multi_reduction <add>, %reduce_sum3A_484, %reduce_sum3A_485 [1] : vector<1x4096xi32> to vector<1xi32>
    %reduce_sum3A_487 = vector.shape_cast %reduce_sum3A_486 : vector<1xi32> to vector<1x1xi32>
    %reduce_sum3A_488 = vector.extract %reduce_sum3A_487[0, 0] : i32 from vector<1x1xi32>
    %eq3A_489 = arith.constant 21 : i32
    %eq3A_490 = vector.broadcast %eq3A_489 : i32 to vector<1x128xi32>
    %eq3A_491 = arith.cmpi eq, %iota3A, %eq3A_490 : vector<1x128xi32>
    %jit3A_492 = arith.constant 0 : i32
    %broadcast_in_dim3A_493 = vector.broadcast %reduce_sum3A_488 : i32 to vector<1x128xi32>
    %broadcast_in_dim3A_494 = vector.broadcast %jit3A_492 : i32 to vector<1x128xi32>
    %select_n3A_495 = arith.select %eq3A_491, %broadcast_in_dim3A_493, %broadcast_in_dim3A_494 : vector<1x128xi1>, vector<1x128xi32>
    %add3A_496 = arith.addi %add3A_475, %select_n3A_495 : vector<1x128xi32>
    %ge3A_497 = arith.constant 192 : i32
    %ge3A_498 = vector.broadcast %ge3A_497 : i32 to vector<4096xi32>
    %ge3A_499 = arith.cmpi sge, %squeeze3A_370, %ge3A_498 : vector<4096xi32>
    %lt3A_500 = arith.constant 224 : i32
    %lt3A_501 = vector.broadcast %lt3A_500 : i32 to vector<4096xi32>
    %lt3A_502 = arith.cmpi slt, %squeeze3A_370, %lt3A_501 : vector<4096xi32>
    %and3A_503 = arith.andi %ge3A_499, %lt3A_502 : vector<4096xi1>
    %convert_element_type3A_504 = arith.extui %and3A_503 : vector<4096xi1> to vector<4096xi32>
    %reduce_sum3A_505 = vector.shape_cast %convert_element_type3A_504 : vector<4096xi32> to vector<1x4096xi32>
    %reduce_sum3A_506 = arith.constant dense<0> : vector<1xi32>
    %reduce_sum3A_507 = vector.multi_reduction <add>, %reduce_sum3A_505, %reduce_sum3A_506 [1] : vector<1x4096xi32> to vector<1xi32>
    %reduce_sum3A_508 = vector.shape_cast %reduce_sum3A_507 : vector<1xi32> to vector<1x1xi32>
    %reduce_sum3A_509 = vector.extract %reduce_sum3A_508[0, 0] : i32 from vector<1x1xi32>
    %eq3A_510 = arith.constant 22 : i32
    %eq3A_511 = vector.broadcast %eq3A_510 : i32 to vector<1x128xi32>
    %eq3A_512 = arith.cmpi eq, %iota3A, %eq3A_511 : vector<1x128xi32>
    %jit3A_513 = arith.constant 0 : i32
    %broadcast_in_dim3A_514 = vector.broadcast %reduce_sum3A_509 : i32 to vector<1x128xi32>
    %broadcast_in_dim3A_515 = vector.broadcast %jit3A_513 : i32 to vector<1x128xi32>
    %select_n3A_516 = arith.select %eq3A_512, %broadcast_in_dim3A_514, %broadcast_in_dim3A_515 : vector<1x128xi1>, vector<1x128xi32>
    %add3A_517 = arith.addi %add3A_496, %select_n3A_516 : vector<1x128xi32>
    %ge3A_518 = arith.constant 224 : i32
    %ge3A_519 = vector.broadcast %ge3A_518 : i32 to vector<4096xi32>
    %ge3A_520 = arith.cmpi sge, %squeeze3A_370, %ge3A_519 : vector<4096xi32>
    %lt3A_521 = arith.constant 256 : i32
    %lt3A_522 = vector.broadcast %lt3A_521 : i32 to vector<4096xi32>
    %lt3A_523 = arith.cmpi slt, %squeeze3A_370, %lt3A_522 : vector<4096xi32>
    %and3A_524 = arith.andi %ge3A_520, %lt3A_523 : vector<4096xi1>
    %convert_element_type3A_525 = arith.extui %and3A_524 : vector<4096xi1> to vector<4096xi32>
    %reduce_sum3A_526 = vector.shape_cast %convert_element_type3A_525 : vector<4096xi32> to vector<1x4096xi32>
    %reduce_sum3A_527 = arith.constant dense<0> : vector<1xi32>
    %reduce_sum3A_528 = vector.multi_reduction <add>, %reduce_sum3A_526, %reduce_sum3A_527 [1] : vector<1x4096xi32> to vector<1xi32>
    %reduce_sum3A_529 = vector.shape_cast %reduce_sum3A_528 : vector<1xi32> to vector<1x1xi32>
    %reduce_sum3A_530 = vector.extract %reduce_sum3A_529[0, 0] : i32 from vector<1x1xi32>
    %eq3A_531 = arith.constant 23 : i32
    %eq3A_532 = vector.broadcast %eq3A_531 : i32 to vector<1x128xi32>
    %eq3A_533 = arith.cmpi eq, %iota3A, %eq3A_532 : vector<1x128xi32>
    %jit3A_534 = arith.constant 0 : i32
    %broadcast_in_dim3A_535 = vector.broadcast %reduce_sum3A_530 : i32 to vector<1x128xi32>
    %broadcast_in_dim3A_536 = vector.broadcast %jit3A_534 : i32 to vector<1x128xi32>
    %select_n3A_537 = arith.select %eq3A_533, %broadcast_in_dim3A_535, %broadcast_in_dim3A_536 : vector<1x128xi1>, vector<1x128xi32>
    %add3A_538 = arith.addi %add3A_517, %select_n3A_537 : vector<1x128xi32>
    %slice3A_539 = vector.extract_strided_slice %get3A_35 {offsets = [3, 0], sizes = [1, 4096], strides = [1, 1]} : vector<4x4096xi32> to vector<1x4096xi32>
    %squeeze3A_540 = vector.shape_cast %slice3A_539 : vector<1x4096xi32> to vector<4096xi32>
    %ge3A_541 = arith.constant 0 : i32
    %ge3A_542 = vector.broadcast %ge3A_541 : i32 to vector<4096xi32>
    %ge3A_543 = arith.cmpi sge, %squeeze3A_540, %ge3A_542 : vector<4096xi32>
    %lt3A_544 = arith.constant 32 : i32
    %lt3A_545 = vector.broadcast %lt3A_544 : i32 to vector<4096xi32>
    %lt3A_546 = arith.cmpi slt, %squeeze3A_540, %lt3A_545 : vector<4096xi32>
    %and3A_547 = arith.andi %ge3A_543, %lt3A_546 : vector<4096xi1>
    %convert_element_type3A_548 = arith.extui %and3A_547 : vector<4096xi1> to vector<4096xi32>
    %reduce_sum3A_549 = vector.shape_cast %convert_element_type3A_548 : vector<4096xi32> to vector<1x4096xi32>
    %reduce_sum3A_550 = arith.constant dense<0> : vector<1xi32>
    %reduce_sum3A_551 = vector.multi_reduction <add>, %reduce_sum3A_549, %reduce_sum3A_550 [1] : vector<1x4096xi32> to vector<1xi32>
    %reduce_sum3A_552 = vector.shape_cast %reduce_sum3A_551 : vector<1xi32> to vector<1x1xi32>
    %reduce_sum3A_553 = vector.extract %reduce_sum3A_552[0, 0] : i32 from vector<1x1xi32>
    %eq3A_554 = arith.constant 24 : i32
    %eq3A_555 = vector.broadcast %eq3A_554 : i32 to vector<1x128xi32>
    %eq3A_556 = arith.cmpi eq, %iota3A, %eq3A_555 : vector<1x128xi32>
    %jit3A_557 = arith.constant 0 : i32
    %broadcast_in_dim3A_558 = vector.broadcast %reduce_sum3A_553 : i32 to vector<1x128xi32>
    %broadcast_in_dim3A_559 = vector.broadcast %jit3A_557 : i32 to vector<1x128xi32>
    %select_n3A_560 = arith.select %eq3A_556, %broadcast_in_dim3A_558, %broadcast_in_dim3A_559 : vector<1x128xi1>, vector<1x128xi32>
    %add3A_561 = arith.addi %add3A_538, %select_n3A_560 : vector<1x128xi32>
    %ge3A_562 = arith.constant 32 : i32
    %ge3A_563 = vector.broadcast %ge3A_562 : i32 to vector<4096xi32>
    %ge3A_564 = arith.cmpi sge, %squeeze3A_540, %ge3A_563 : vector<4096xi32>
    %lt3A_565 = arith.constant 64 : i32
    %lt3A_566 = vector.broadcast %lt3A_565 : i32 to vector<4096xi32>
    %lt3A_567 = arith.cmpi slt, %squeeze3A_540, %lt3A_566 : vector<4096xi32>
    %and3A_568 = arith.andi %ge3A_564, %lt3A_567 : vector<4096xi1>
    %convert_element_type3A_569 = arith.extui %and3A_568 : vector<4096xi1> to vector<4096xi32>
    %reduce_sum3A_570 = vector.shape_cast %convert_element_type3A_569 : vector<4096xi32> to vector<1x4096xi32>
    %reduce_sum3A_571 = arith.constant dense<0> : vector<1xi32>
    %reduce_sum3A_572 = vector.multi_reduction <add>, %reduce_sum3A_570, %reduce_sum3A_571 [1] : vector<1x4096xi32> to vector<1xi32>
    %reduce_sum3A_573 = vector.shape_cast %reduce_sum3A_572 : vector<1xi32> to vector<1x1xi32>
    %reduce_sum3A_574 = vector.extract %reduce_sum3A_573[0, 0] : i32 from vector<1x1xi32>
    %eq3A_575 = arith.constant 25 : i32
    %eq3A_576 = vector.broadcast %eq3A_575 : i32 to vector<1x128xi32>
    %eq3A_577 = arith.cmpi eq, %iota3A, %eq3A_576 : vector<1x128xi32>
    %jit3A_578 = arith.constant 0 : i32
    %broadcast_in_dim3A_579 = vector.broadcast %reduce_sum3A_574 : i32 to vector<1x128xi32>
    %broadcast_in_dim3A_580 = vector.broadcast %jit3A_578 : i32 to vector<1x128xi32>
    %select_n3A_581 = arith.select %eq3A_577, %broadcast_in_dim3A_579, %broadcast_in_dim3A_580 : vector<1x128xi1>, vector<1x128xi32>
    %add3A_582 = arith.addi %add3A_561, %select_n3A_581 : vector<1x128xi32>
    %ge3A_583 = arith.constant 64 : i32
    %ge3A_584 = vector.broadcast %ge3A_583 : i32 to vector<4096xi32>
    %ge3A_585 = arith.cmpi sge, %squeeze3A_540, %ge3A_584 : vector<4096xi32>
    %lt3A_586 = arith.constant 96 : i32
    %lt3A_587 = vector.broadcast %lt3A_586 : i32 to vector<4096xi32>
    %lt3A_588 = arith.cmpi slt, %squeeze3A_540, %lt3A_587 : vector<4096xi32>
    %and3A_589 = arith.andi %ge3A_585, %lt3A_588 : vector<4096xi1>
    %convert_element_type3A_590 = arith.extui %and3A_589 : vector<4096xi1> to vector<4096xi32>
    %reduce_sum3A_591 = vector.shape_cast %convert_element_type3A_590 : vector<4096xi32> to vector<1x4096xi32>
    %reduce_sum3A_592 = arith.constant dense<0> : vector<1xi32>
    %reduce_sum3A_593 = vector.multi_reduction <add>, %reduce_sum3A_591, %reduce_sum3A_592 [1] : vector<1x4096xi32> to vector<1xi32>
    %reduce_sum3A_594 = vector.shape_cast %reduce_sum3A_593 : vector<1xi32> to vector<1x1xi32>
    %reduce_sum3A_595 = vector.extract %reduce_sum3A_594[0, 0] : i32 from vector<1x1xi32>
    %eq3A_596 = arith.constant 26 : i32
    %eq3A_597 = vector.broadcast %eq3A_596 : i32 to vector<1x128xi32>
    %eq3A_598 = arith.cmpi eq, %iota3A, %eq3A_597 : vector<1x128xi32>
    %jit3A_599 = arith.constant 0 : i32
    %broadcast_in_dim3A_600 = vector.broadcast %reduce_sum3A_595 : i32 to vector<1x128xi32>
    %broadcast_in_dim3A_601 = vector.broadcast %jit3A_599 : i32 to vector<1x128xi32>
    %select_n3A_602 = arith.select %eq3A_598, %broadcast_in_dim3A_600, %broadcast_in_dim3A_601 : vector<1x128xi1>, vector<1x128xi32>
    %add3A_603 = arith.addi %add3A_582, %select_n3A_602 : vector<1x128xi32>
    %ge3A_604 = arith.constant 96 : i32
    %ge3A_605 = vector.broadcast %ge3A_604 : i32 to vector<4096xi32>
    %ge3A_606 = arith.cmpi sge, %squeeze3A_540, %ge3A_605 : vector<4096xi32>
    %lt3A_607 = arith.constant 128 : i32
    %lt3A_608 = vector.broadcast %lt3A_607 : i32 to vector<4096xi32>
    %lt3A_609 = arith.cmpi slt, %squeeze3A_540, %lt3A_608 : vector<4096xi32>
    %and3A_610 = arith.andi %ge3A_606, %lt3A_609 : vector<4096xi1>
    %convert_element_type3A_611 = arith.extui %and3A_610 : vector<4096xi1> to vector<4096xi32>
    %reduce_sum3A_612 = vector.shape_cast %convert_element_type3A_611 : vector<4096xi32> to vector<1x4096xi32>
    %reduce_sum3A_613 = arith.constant dense<0> : vector<1xi32>
    %reduce_sum3A_614 = vector.multi_reduction <add>, %reduce_sum3A_612, %reduce_sum3A_613 [1] : vector<1x4096xi32> to vector<1xi32>
    %reduce_sum3A_615 = vector.shape_cast %reduce_sum3A_614 : vector<1xi32> to vector<1x1xi32>
    %reduce_sum3A_616 = vector.extract %reduce_sum3A_615[0, 0] : i32 from vector<1x1xi32>
    %eq3A_617 = arith.constant 27 : i32
    %eq3A_618 = vector.broadcast %eq3A_617 : i32 to vector<1x128xi32>
    %eq3A_619 = arith.cmpi eq, %iota3A, %eq3A_618 : vector<1x128xi32>
    %jit3A_620 = arith.constant 0 : i32
    %broadcast_in_dim3A_621 = vector.broadcast %reduce_sum3A_616 : i32 to vector<1x128xi32>
    %broadcast_in_dim3A_622 = vector.broadcast %jit3A_620 : i32 to vector<1x128xi32>
    %select_n3A_623 = arith.select %eq3A_619, %broadcast_in_dim3A_621, %broadcast_in_dim3A_622 : vector<1x128xi1>, vector<1x128xi32>
    %add3A_624 = arith.addi %add3A_603, %select_n3A_623 : vector<1x128xi32>
    %ge3A_625 = arith.constant 128 : i32
    %ge3A_626 = vector.broadcast %ge3A_625 : i32 to vector<4096xi32>
    %ge3A_627 = arith.cmpi sge, %squeeze3A_540, %ge3A_626 : vector<4096xi32>
    %lt3A_628 = arith.constant 160 : i32
    %lt3A_629 = vector.broadcast %lt3A_628 : i32 to vector<4096xi32>
    %lt3A_630 = arith.cmpi slt, %squeeze3A_540, %lt3A_629 : vector<4096xi32>
    %and3A_631 = arith.andi %ge3A_627, %lt3A_630 : vector<4096xi1>
    %convert_element_type3A_632 = arith.extui %and3A_631 : vector<4096xi1> to vector<4096xi32>
    %reduce_sum3A_633 = vector.shape_cast %convert_element_type3A_632 : vector<4096xi32> to vector<1x4096xi32>
    %reduce_sum3A_634 = arith.constant dense<0> : vector<1xi32>
    %reduce_sum3A_635 = vector.multi_reduction <add>, %reduce_sum3A_633, %reduce_sum3A_634 [1] : vector<1x4096xi32> to vector<1xi32>
    %reduce_sum3A_636 = vector.shape_cast %reduce_sum3A_635 : vector<1xi32> to vector<1x1xi32>
    %reduce_sum3A_637 = vector.extract %reduce_sum3A_636[0, 0] : i32 from vector<1x1xi32>
    %eq3A_638 = arith.constant 28 : i32
    %eq3A_639 = vector.broadcast %eq3A_638 : i32 to vector<1x128xi32>
    %eq3A_640 = arith.cmpi eq, %iota3A, %eq3A_639 : vector<1x128xi32>
    %jit3A_641 = arith.constant 0 : i32
    %broadcast_in_dim3A_642 = vector.broadcast %reduce_sum3A_637 : i32 to vector<1x128xi32>
    %broadcast_in_dim3A_643 = vector.broadcast %jit3A_641 : i32 to vector<1x128xi32>
    %select_n3A_644 = arith.select %eq3A_640, %broadcast_in_dim3A_642, %broadcast_in_dim3A_643 : vector<1x128xi1>, vector<1x128xi32>
    %add3A_645 = arith.addi %add3A_624, %select_n3A_644 : vector<1x128xi32>
    %ge3A_646 = arith.constant 160 : i32
    %ge3A_647 = vector.broadcast %ge3A_646 : i32 to vector<4096xi32>
    %ge3A_648 = arith.cmpi sge, %squeeze3A_540, %ge3A_647 : vector<4096xi32>
    %lt3A_649 = arith.constant 192 : i32
    %lt3A_650 = vector.broadcast %lt3A_649 : i32 to vector<4096xi32>
    %lt3A_651 = arith.cmpi slt, %squeeze3A_540, %lt3A_650 : vector<4096xi32>
    %and3A_652 = arith.andi %ge3A_648, %lt3A_651 : vector<4096xi1>
    %convert_element_type3A_653 = arith.extui %and3A_652 : vector<4096xi1> to vector<4096xi32>
    %reduce_sum3A_654 = vector.shape_cast %convert_element_type3A_653 : vector<4096xi32> to vector<1x4096xi32>
    %reduce_sum3A_655 = arith.constant dense<0> : vector<1xi32>
    %reduce_sum3A_656 = vector.multi_reduction <add>, %reduce_sum3A_654, %reduce_sum3A_655 [1] : vector<1x4096xi32> to vector<1xi32>
    %reduce_sum3A_657 = vector.shape_cast %reduce_sum3A_656 : vector<1xi32> to vector<1x1xi32>
    %reduce_sum3A_658 = vector.extract %reduce_sum3A_657[0, 0] : i32 from vector<1x1xi32>
    %eq3A_659 = arith.constant 29 : i32
    %eq3A_660 = vector.broadcast %eq3A_659 : i32 to vector<1x128xi32>
    %eq3A_661 = arith.cmpi eq, %iota3A, %eq3A_660 : vector<1x128xi32>
    %jit3A_662 = arith.constant 0 : i32
    %broadcast_in_dim3A_663 = vector.broadcast %reduce_sum3A_658 : i32 to vector<1x128xi32>
    %broadcast_in_dim3A_664 = vector.broadcast %jit3A_662 : i32 to vector<1x128xi32>
    %select_n3A_665 = arith.select %eq3A_661, %broadcast_in_dim3A_663, %broadcast_in_dim3A_664 : vector<1x128xi1>, vector<1x128xi32>
    %add3A_666 = arith.addi %add3A_645, %select_n3A_665 : vector<1x128xi32>
    %ge3A_667 = arith.constant 192 : i32
    %ge3A_668 = vector.broadcast %ge3A_667 : i32 to vector<4096xi32>
    %ge3A_669 = arith.cmpi sge, %squeeze3A_540, %ge3A_668 : vector<4096xi32>
    %lt3A_670 = arith.constant 224 : i32
    %lt3A_671 = vector.broadcast %lt3A_670 : i32 to vector<4096xi32>
    %lt3A_672 = arith.cmpi slt, %squeeze3A_540, %lt3A_671 : vector<4096xi32>
    %and3A_673 = arith.andi %ge3A_669, %lt3A_672 : vector<4096xi1>
    %convert_element_type3A_674 = arith.extui %and3A_673 : vector<4096xi1> to vector<4096xi32>
    %reduce_sum3A_675 = vector.shape_cast %convert_element_type3A_674 : vector<4096xi32> to vector<1x4096xi32>
    %reduce_sum3A_676 = arith.constant dense<0> : vector<1xi32>
    %reduce_sum3A_677 = vector.multi_reduction <add>, %reduce_sum3A_675, %reduce_sum3A_676 [1] : vector<1x4096xi32> to vector<1xi32>
    %reduce_sum3A_678 = vector.shape_cast %reduce_sum3A_677 : vector<1xi32> to vector<1x1xi32>
    %reduce_sum3A_679 = vector.extract %reduce_sum3A_678[0, 0] : i32 from vector<1x1xi32>
    %eq3A_680 = arith.constant 30 : i32
    %eq3A_681 = vector.broadcast %eq3A_680 : i32 to vector<1x128xi32>
    %eq3A_682 = arith.cmpi eq, %iota3A, %eq3A_681 : vector<1x128xi32>
    %jit3A_683 = arith.constant 0 : i32
    %broadcast_in_dim3A_684 = vector.broadcast %reduce_sum3A_679 : i32 to vector<1x128xi32>
    %broadcast_in_dim3A_685 = vector.broadcast %jit3A_683 : i32 to vector<1x128xi32>
    %select_n3A_686 = arith.select %eq3A_682, %broadcast_in_dim3A_684, %broadcast_in_dim3A_685 : vector<1x128xi1>, vector<1x128xi32>
    %add3A_687 = arith.addi %add3A_666, %select_n3A_686 : vector<1x128xi32>
    %ge3A_688 = arith.constant 224 : i32
    %ge3A_689 = vector.broadcast %ge3A_688 : i32 to vector<4096xi32>
    %ge3A_690 = arith.cmpi sge, %squeeze3A_540, %ge3A_689 : vector<4096xi32>
    %lt3A_691 = arith.constant 256 : i32
    %lt3A_692 = vector.broadcast %lt3A_691 : i32 to vector<4096xi32>
    %lt3A_693 = arith.cmpi slt, %squeeze3A_540, %lt3A_692 : vector<4096xi32>
    %and3A_694 = arith.andi %ge3A_690, %lt3A_693 : vector<4096xi1>
    %convert_element_type3A_695 = arith.extui %and3A_694 : vector<4096xi1> to vector<4096xi32>
    %reduce_sum3A_696 = vector.shape_cast %convert_element_type3A_695 : vector<4096xi32> to vector<1x4096xi32>
    %reduce_sum3A_697 = arith.constant dense<0> : vector<1xi32>
    %reduce_sum3A_698 = vector.multi_reduction <add>, %reduce_sum3A_696, %reduce_sum3A_697 [1] : vector<1x4096xi32> to vector<1xi32>
    %reduce_sum3A_699 = vector.shape_cast %reduce_sum3A_698 : vector<1xi32> to vector<1x1xi32>
    %reduce_sum3A_700 = vector.extract %reduce_sum3A_699[0, 0] : i32 from vector<1x1xi32>
    %eq3A_701 = arith.constant 31 : i32
    %eq3A_702 = vector.broadcast %eq3A_701 : i32 to vector<1x128xi32>
    %eq3A_703 = arith.cmpi eq, %iota3A, %eq3A_702 : vector<1x128xi32>
    %jit3A_704 = arith.constant 0 : i32
    %broadcast_in_dim3A_705 = vector.broadcast %reduce_sum3A_700 : i32 to vector<1x128xi32>
    %broadcast_in_dim3A_706 = vector.broadcast %jit3A_704 : i32 to vector<1x128xi32>
    %select_n3A_707 = arith.select %eq3A_703, %broadcast_in_dim3A_705, %broadcast_in_dim3A_706 : vector<1x128xi1>, vector<1x128xi32>
    %add3A_708 = arith.addi %add3A_687, %select_n3A_707 : vector<1x128xi32>
    %swap3A_709 = arith.constant 0 : index
    %swap3A_710 = arith.constant 0 : index
    %swap3A_711 = vector.load %arg5[%swap3A_709, %swap3A_710] : memref<1x128xi32, #tpu.memory_space<vmem>>, vector<1x128xi32>
    tpu.vector_store %arg5[%swap3A_709, %swap3A_710], %add3A_708 {strides = array<i32>} : memref<1x128xi32, #tpu.memory_space<vmem>>, vector<1x128xi32>,
    return
  }
}

</mosaic_0001>

<sc_bundles>
// kernel: kernel.4.cloned.1.call-start
scs
__scs_entry_jumppad:
0x0: {  	(pc) =	sbr.rel $0x88, $3  }
0x1: {  	(tag) =	ssettag $0x0;
	lr =	simm.s32 $0x1  }
0x2: {  	[smem:$0x3F9D] =	sst lr;
	_ =	strace $0xD0000000  }
0x3: {  	_ = 	snop  }
0x4: {  	_ = 	snop  }
0x5: {  	_ = 	snop  }
0x6: {  	_ = 	snop  }
0x7: {  	_ = 	snop  }
__scs_overlays_trampoline_lowered:
0x8: {  	[smem:$0x3FAC] =	sst s0  }
0x9: {  	[smem:$0x3FAD] =	sst s1  }
0xa: {  	[smem:$0x3FAE] =	sst s2  }
0xb: {  	[smem:$0x3FAF] =	sst s3  }
0xc: {  	[smem:$0x3FB0] =	sst s4  }
0xd: {  	[smem:$0x3FB1] =	sst s5  }
0xe: {  	[smem:$0x3FB2] =	sst s6  }
0xf: {  	[smem:$0x3FB3] =	sst s7  }
0x10: {  	[smem:$0x3FB4] =	sst s8  }
0x11: {  	[smem:$0x3FB5] =	sst s9;
	s0 =	simm.s32 @!p0 $0x0  }
0x12: {  	s1 =	sld [smem:$0x3F9B];
	s0 =	simm.s32 @p0 $0x1  }
0x13: {  	[smem:$0x3FB6] =	sst s0;
	s0 =	simm.s32 @!p1 $0x0  }
0x14: {  	s2 =	sld [smem:$0x3F9A];
	s0 =	simm.s32 @p1 $0x1  }
0x15: {  	[smem:$0x3FB7] =	sst s0;
	s0 =	simm.s32 @!p2 $0x0  }
0x16: {  	s3 =	sld [smem:$0x3FDB];
	s0 =	simm.s32 @p2 $0x1  }
0x17: {  	s4 =	simm.s32 $0x1BF5;
	[smem:$0x3FB9] =	sst s0  }
0x18: {  	s0 =	sld [smem:$0x3F9C];
	_ =	swait.ge [sflag:s4], $0x0  }
0x19: {  	s7 =	sld [smem:$0x3F9D]  }
0x1a: {  	s8 =	sadd.s32 $0xFFFFE003, lr  }
0x1b: {  	s9 =	sadd.s32 $0xFFFFFEF7, lr;
	s5 =	simm.s32 $0xFFFFFFFF;
	p2 =	slt.u32 s8, $0xFFFFF086  }
0x1c: {  	p1 =	slt.u32 s9, $0xF7A;
	s5 =	simm.s32 @!p2 $0x0  }
0x1d: {  	s5 =	simm.s32 @p1 $0x1;
	p0 =	seq.s32 s7, s2  }
0x1e: {  	s7 =	smul.u32 @!p0 $0xF7A, s2;
	p2 =	seq.s32 @!p0 s5, $0x0  }
0x1f: {  	s9 =	smul.u32 $0xF7A, s1;
	s8 =	simm.s32 @!p0 $0x1BF5;
	p2 =	por !p2, p0  }
0x20: {  	[sflag:s8] =	ssyncset.s32 @!p0 $0xFFFFF086;
	s6 =	sadd.s32 @!p0 s3, s7;
	s7 =	simm.s32 @!p0 $0x108  }
0x21: {  	s3 =	sadd.s32 s3, s9;
	s6 =	sadd.s32 @!p0 $0x88, s6;
	s7 =	simm.s32 @p2 $0x1082  }
0x22: {  	[simem:s7], [sflag:s8] =	dma.local @!p0 [hbm:s6], $0xF7A  }
0x23: {  	s9 =	sor.u32 $0xD0000000, s2;
	s6 =	simm.s32 $0x108;
	_ =	swait.ge @!p0 [sflag:s8], $0x0  }
0x24: {  	s3 =	sadd.s32 $0x88, s3;
	s6 =	simm.s32 @!p1 $0x1082;
	[sflag:s4] =	ssyncset.s32 $0xFFFFF086  }
0x25: {  	[simem:s6], [sflag:s4] =	dma.local [hbm:s3], $0xF7A  }
0x26: {  	[smem:$0x3F9D] =	sst s1;
	(tag) =	ssettag s2;
	_ =	strace s9  }
0x27: {  	s1 =	sld [smem:$0x3FAD]  }
0x28: {  	s2 =	sld [smem:$0x3FAE]  }
0x29: {  	s4 =	sld [smem:$0x3FB0]  }
0x2a: {  	p0 =	seq.s32 s5, $0x0;
	s5 =	sld [smem:$0x3FB1]  }
0x2b: {  	s6 =	sld [smem:$0x3FB2]  }
0x2c: {  	s7 =	sld [smem:$0x3FB3]  }
0x2d: {  	s3 =	simm.s32 $0x108;
	s8 =	sld [smem:$0x3FB4]  }
0x2e: {  	s3 =	simm.s32 @!p0 $0x1082;
	s9 =	sld [smem:$0x3FB5]  }
0x2f: {  	lr =	sadd.s32 s0, s3;
	s0 =	sld [smem:$0x3FAC]  }
0x30: {  	s3 =	sld [smem:$0x3FAF]  }
0x31: {  	[smem:$0x3FB8] =	sst s10  }
0x32: {  	s10 =	sld [smem:$0x3FB6];
	_ =	sdelay $0x3  }
0x33: {  	p0 =	seq.s32 s10, $0x1;
	s10 =	sld [smem:$0x3FB8];
	_ =	sdelay $0x3  }
0x34: {  	[smem:$0x3FB8] =	sst s10  }
0x35: {  	s10 =	sld [smem:$0x3FB7];
	_ =	sdelay $0x3  }
0x36: {  	p1 =	seq.s32 s10, $0x1;
	s10 =	sld [smem:$0x3FB8];
	_ =	sdelay $0x3  }
0x37: {  	[smem:$0x3FB8] =	sst s10  }
0x38: {  	s10 =	sld [smem:$0x3FB9]  }
0x39: {  	_ = 	snop;
	(pc) =	sbr.ind lr, $3  }
0x3a: {  	_ = 	snop  }
0x3b: {  	_ = 	snop  }
0x3c: {  	p2 =	seq.s32 s10, $0x1;
	s10 =	sld [smem:$0x3FB8]  }
0x3d: {  	_ =	shalt  }
0x3e: {  	_ =	shalt  }
0x3f: {  	_ =	shalt  }
0x40: {  	_ =	shalt  }
0x41: {  	_ =	shalt  }
0x42: {  	_ =	shalt  }
0x43: {  	_ =	shalt  }
0x44: {  	_ =	shalt  }
0x45: {  	_ =	shalt  }
0x46: {  	_ =	shalt  }
0x47: {  	_ =	shalt  }
0x48: {  	_ =	shalt  }
0x49: {  	_ =	shalt  }
0x4a: {  	_ =	shalt  }
0x4b: {  	_ =	shalt  }
0x4c: {  	_ =	shalt  }
0x4d: {  	_ =	shalt  }
0x4e: {  	_ =	shalt  }
0x4f: {  	_ =	shalt  }
0x50: {  	_ =	shalt  }
0x51: {  	_ =	shalt  }
0x52: {  	_ =	shalt  }
0x53: {  	_ =	shalt  }
0x54: {  	_ =	shalt  }
0x55: {  	_ =	shalt  }
0x56: {  	_ =	shalt  }
0x57: {  	_ =	shalt  }
0x58: {  	_ =	shalt  }
0x59: {  	_ =	shalt  }
0x5a: {  	_ =	shalt  }
0x5b: {  	_ =	shalt  }
0x5c: {  	_ =	shalt  }
0x5d: {  	_ =	shalt  }
0x5e: {  	_ =	shalt  }
0x5f: {  	_ =	shalt  }
0x60: {  	_ =	shalt  }
0x61: {  	_ =	shalt  }
0x62: {  	_ =	shalt  }
0x63: {  	_ =	shalt  }
0x64: {  	_ =	shalt  }
0x65: {  	_ =	shalt  }
0x66: {  	_ =	shalt  }
0x67: {  	_ =	shalt  }
0x68: {  	_ =	shalt  }
0x69: {  	_ =	shalt  }
0x6a: {  	_ =	shalt  }
0x6b: {  	_ =	shalt  }
0x6c: {  	_ =	shalt  }
0x6d: {  	_ =	shalt  }
0x6e: {  	_ =	shalt  }
0x6f: {  	_ =	shalt  }
0x70: {  	_ =	shalt  }
0x71: {  	_ =	shalt  }
0x72: {  	_ =	shalt  }
0x73: {  	_ =	shalt  }
0x74: {  	_ =	shalt  }
0x75: {  	_ =	shalt  }
0x76: {  	_ =	shalt  }
0x77: {  	_ =	shalt  }
0x78: {  	_ =	shalt  }
0x79: {  	_ =	shalt  }
0x7a: {  	_ =	shalt  }
0x7b: {  	_ =	shalt  }
0x7c: {  	_ =	shalt  }
0x7d: {  	_ =	shalt  }
0x7e: {  	_ =	shalt  }
0x7f: {  	_ =	shalt  }
0x80: {  	_ =	shalt  }
0x81: {  	_ =	shalt  }
0x82: {  	_ =	shalt  }
0x83: {  	_ =	shalt  }
0x84: {  	_ =	shalt  }
0x85: {  	_ =	shalt  }
0x86: {  	_ =	shalt  }
0x87: {  	_ =	shalt  }
.Lfunc_end0:
.L_simem_size_0:
called_computation_lowered:
.L_overlay_start_0:
0x88: {  	s2 =	sld [smem:$0x3FD9]  }
0x89: {  	s3 =	sld [smem:$0x3FFE];
	_ =	sdelay $0x1  }
0x8a: {  	s1 =	srdreg.scid  }
0x8b: {  	s0 =	sand.u32 $0x1, s1  }
0x8c: {  	s17 =	sshll.u32 s0, $0xA;
	s2 =	sadd.s32 s3, s2  }
0x8d: {  	s2 =	sadd.s32 s2, s17  }
0x8e: {  	[smem:$0x3FC4] =	sst s2  }
0x8f: {  	_ = 	snop  }
0x90: {  	s2 =	sld [smem:$0x3FD0];
	(tm) =	ssettm $0x1  }
0x91: {  	s18 =	sld [smem:$0x3FFB];
	_ =	sdelay $0x3  }
0x92: {  	_ =	strace s18  }
0x93: {  	s3 =	sld [smem:$0x3FFC];
	_ =	sdelay $0x3  }
0x94: {  	_ =	strace s3  }
0x95: {  	s3 =	sld [smem:$0x3FFD];
	_ =	sdelay $0x3  }
0x96: {  	_ =	strace s3  }
0x97: {  	_ =	strace $0x8FFFFFFF  }
0x98: {  	s19 =	sld [smem:$0x3FDB];
	_ =	sdelay $0x1  }
0x99: {  	s4 =	simm.s32 $_scs_section_size  }
0x9a: {  	s5 =	simm.s32 $_size__tile_overlayer_lowered;
	s6 =	simm.s32 $_tile_overlayer_lowered  }
0x9b: {  	s22 =	simm.s32 $0x1BFF;
	s21 =	sshll.u32 s6, $0x1;
	s3 =	sadd.s32 s4, s19  }
0x9c: {  	s7 =	simm.s32 $0x0;
	s20 =	sshll.u32 s5, $0x1;
	s5 =	sadd.s32 s21, s3  }
0x9d: {  	[timem:s7], [sflag:s22] =	dma.local [hbm:s5], s20  }
0x9e: {  	_ =	swait.ge [sflag:s22], s20  }
0x9f: {  	s4 =	ssub.s32 $0x0, s20;
	[sflag:s22] =	ssyncset.done $0x0  }
0xa0: {  	[sflag:s22] =	ssyncadd.s32 s4;
	_ =	sdelay $0x1  }
0xa1: {  	s23 =	simm.s32 $0x1B8B  }
0xa2: {  	_ =	swait.ge [sflag:s23], $0x1  }
0xa3: {  	[sflag:s23] =	ssyncset.done $0x0  }
0xa4: {  	s25 =	simm.s32 $0x1B8E;
	s24 =	sld [smem:$0x3FFE];
	[sflag:s23] =	ssyncadd.s32 $0xFFFFFFFF  }
0xa5: {  	s26 =	simm.s32 $execute0_lowered;
	[smem:$0x3FD2] =	sst s25  }
0xa6: {  	s5 =	sshll.u32 s26, $0x1;
	_ =	strace $0x80000046;
	[dreg:$0x1] =	wrdreg $0xFFFFFFFF  }
0xa7: {  	s28 =	simm.s32 $_size_execute0_lowered;
	s3 =	sadd.s32 s3, s5;
	[dreg:$0x0] =	wrdreg $0x0  }
0xa8: {  	s5 =	sshll.u32 s28, $0x1;
	[dreg:$0x2] =	wrdreg s3  }
0xa9: {  	[dreg:$0x3] =	wrdreg s5  }
0xaa: {  	[dreg:$0x4] =	wrdreg $0xC0  }
0xab: {  	_ =	task [dreg:s7], $0x5FFFF  }
0xac: {  	[dreg:$0x1] =	wrdreg $0xFFFFFFFF  }
0xad: {  	[dreg:$0x0] =	wrdreg $0x60  }
0xae: {  	[dreg:$0x2] =	wrdreg s24  }
0xaf: {  	[dreg:$0x3] =	wrdreg s2  }
0xb0: {  	[dreg:$0x4] =	wrdreg $0x9  }
0xb1: {  	_ =	task.clear_ibuf [dreg:s7], $0x5FFFF;
	_ =	strace $0x90000046  }
0xb2: {  	s29 =	simm.s32 $0x9;
	_ =	strace $0x80000048  }
0xb3: {  	_ =	swait.ge [sflag:s29], $0x1  }
0xb4: {  	[sflag:s29] =	ssyncadd.s32 $0xFFFFFFFF  }
0xb5: {  	_ =	strace $0x90000048  }
0xb6: {  	_ =	sfence  }
0xb7: {  	s30 =	sld [smem:$0x0];
	_ =	sdelay $0x2  }
0xb8: {  	s31 =	sshll.u32 s1, $0xD;
	s1 =	sshrl.u32 s1, $0x2  }
0xb9: {  	s3 =	sand.u32 $0x4000, s31;
	s1 =	sadd.s32 s1, s30  }
0xba: {  	s0 =	sor.u32 s3, s0;
	s1 =	sshll.u32 s1, $0x11  }
0xbb: {  	s0 =	sor.u32 s1, s0  }
0xbc: {  	s0 =	sadd.s32 $0x8F2B, s0  }
0xbd: {  	[sflag:s0] =	ssyncadd.remote.s32 $0x1  }
0xbe: {  	_ =	sfence.sel $0xFFFF  }
0xbf: {  	[dreg:$0x0] =	wrdreg $0xFFFFFFFF;
	(pc) =	sbr.abs _section_cstart, $3  }
0xc0: {  	[dreg:$0x1] =	wrdreg $0xFFFFFFFF  }
0xc1: {  	_ =	task.clear_ibuf [dreg:s7], $0x2FFFF;
	_ =	strace $0x9FFFFFFF  }
0xc2: {  	(tm) =	ssettm $0x7FFFFFFF  }
0xc3: {  	_ =	shalt  }
tec
execute0_lowered:
.L_overlay_start_1:
0x0: {  	(tag) =	ssettag $0x1  }
0x1: {  	s4 =	rddreg [dreg:$0x0]  }
0x2: {  	s8 =	rddreg [dreg:$0x1]  }
0x3: {  	s0 =	rddreg [dreg:$0x2]  }
0x4: {  	s1 =	stileid.u32;
	s3 =	srdreg.scid  }
0x5: {  	s2 =	simm.s32 $0x0;
	s13 =	simm.s32 $0x0;
	s5 =	sand.u32 $0x1, s3  }
0x6: {  	s30 =	sshll.u32 s1, $0x1;
	[smem:$0x7FF] =	sst s2;
	s6 =	sshll.u32 s1, $0x7  }
0x7: {  	s31 =	sshll.u32 s1, $0x12;
	s3 =	sor.u32 s5, s30;
	_ =	strace $0x80000047  }
0x8: {  	s6 =	sand.u32 $0x600, s6;
	s5 =	ssub.s32 $0x2, s5;
	s7 =	sand.u32 $0x7, s3  }
0x9: {  	s6 =	sadd.s32 s6, s4;
	s10 =	sshrl.u32 s5, $0x1;
	s9 =	sshll.u32 s7, $0xD  }
.Ltmp0:
0xa: {  	s10 =	ssub.s32 s5, s10;
	s11 =	sshll.u32 s7, $0x5;
	(pc) =	sbr.rel .LBB2_1-.Ltmp0, $4  }
0xb: {  	s6 =	sadd.s32 $0x1000, s6;
	s9 =	sadd.s32 s9, s4;
	s4 =	sadd.s32 $0x11800, s4  }
0xc: {  	s12 =	sadd.s32 $0x20, s11;
	s7 =	smax.u32 s10, $0x1;
	s10 =	simm.s32 $0x2  }
0xd: {  	v0 =	vmov s11;
	s11 =	simm.s32 $0x11000;
	s5 =	sadd.s32 $0x1800, s9;
	s9 =	sand.u32 $0x300000, s31  }
0xe: {  	v1 =	vmov s12;
	s12 =	simm.s32 $0x1;
	s8 =	sadd.s32 s9, s8;
	s9 =	simm.s32 $0x1000  }
.LBB2_14:
0xf: {  	[sflag:s12] =	ssyncadd.s32 $0xFFFFF800  }
.LBB2_15:
0x10: {  	s13 =	sadd.s32 $0x1, s13  }
0x11: {  	p0 =	sne.s32 s13, s7  }
.Ltmp1:
0x12: {  	_ = 	snop;
	(pc) =	sbr.rel @!p0 .LBB2_16-.Ltmp1, $1  }
0x13: {  	_ =	sdelay $0x3  }
.LBB2_1:
0x14: {  	[tilespmem:s9], [sflag:$0x2] =	stream.linear.gather [hbm4b:s5+s2], $0x10000, $0x38;
	[tilespmem:$0x11080] =	vst v63  }
0x15: {  	_ =	swait.ge [sflag:s10], $0x10000  }
0x16: {  	[sflag:s10] =	ssyncset.done $0x0  }
0x17: {  	[sflag:s10] =	ssyncadd.s32 $0xFFFF0000  }
0x18: {  	[tilespmem:s2], [sflag:$0x2] =	stream.linear.gather [hbm4b:s6+s2], $0x1000, $0x38;
	[tilespmem:$0x11080] =	vst v63  }
0x19: {  	_ =	swait.ge [sflag:s10], $0x1000  }
0x1a: {  	[sflag:s10] =	ssyncset.done $0x0  }
0x1b: {  	[sflag:s10] =	ssyncadd.s32 $0xFFFFF000  }
0x1c: {  	[tilespmem:s11], [sflag:$0x2] =	stream.linear.gather [hbm4b:s4+s2], $0x30, $0x38;
	[tilespmem:$0x11080] =	vst v63  }
.Ltmp2:
0x1d: {  	_ = 	snop;
	(pc) =	sbr.rel .LBB2_2-.Ltmp2, $4  }
0x1e: {  	_ =	swait.ge [sflag:s10], $0x30  }
0x1f: {  	[sflag:s10] =	ssyncset.done $0x0  }
0x20: {  	[sflag:s10] =	ssyncadd.s32 $0xFFFFFFD0  }
0x21: {  	s14 =	simm.s32 $0x0;
	s15 =	simm.s32 $0x0;
	v2 =	vld [tilespmem:s3+$0x11000]  }
.LBB2_10:
0x22: {  	s15 =	sadd.s32 $0x1000, s15  }
0x23: {  	p0 =	seq.s32 s15, $0x100000  }
.Ltmp3:
0x24: {  	_ = 	snop;
	(pc) =	sbr.rel @p0 .LBB2_11-.Ltmp3, $2  }
0x25: {  	_ =	sdelay $0x2  }
0x26: {  	s14 =	sadd.s32 $0x10, s14  }
.LBB2_2:
0x27: {  	v3 =	vld [tilespmem:s14+$0x0];
	_ =	sdelay $0x4  }
0x28: {  	vm0 =	vge.s32 v3, v0;
	vm1 =	vlt.s32 v3, v1  }
0x29: {  	v3 =	vsub.s32 v3, v0;
	vm0 =	vmand vm0, vm1  }
0x2a: {  	v3 =	vnsel vm0, $0xFFFFFFFF, v3  }
0x2b: {  	(v2sf) =	vpush v3, $0x0  }
0x2c: {  	(v2sf) =	vpush v3, $0x1  }
0x2d: {  	(v2sf) =	vpush v3, $0x2  }
0x2e: {  	(v2sf) =	vpush v3, $0x3;
	_ =	sdelay $0xb  }
0x2f: {  	s19 =	spop (v2sf)  }
0x30: {  	s18 =	spop (v2sf)  }
0x31: {  	s17 =	spop (v2sf);
	s20 =	sand.u32 s18, s19  }
0x32: {  	s16 =	spop (v2sf);
	s20 =	sand.u32 s17, s20  }
0x33: {  	s20 =	sand.u32 s16, s20  }
0x34: {  	p0 =	slt.s32 s20, $0x0  }
.Ltmp4:
0x35: {  	_ = 	snop;
	(pc) =	sbr.rel @p0 .LBB2_4-.Ltmp4, $1  }
0x36: {  	_ =	sdelay $0x3  }
0x37: {  	p0 =	slt.s32 s19, $0x0  }
0x38: {  	s20 =	sshll.u32 @!p0 s19, $0xB;
	s19 =	sshll.u32 @!p0 s19, $0x7  }
0x39: {  	s20 =	sand.u32 @!p0 $0xFFFFC000, s20;
	s19 =	sand.u32 @!p0 $0x380, s19  }
0x3a: {  	s19 =	sor.u32 @!p0 s19, s20  }
0x3b: {  	s21 =	sadd.s32 @!p0 s15, s8;
	s22 =	simm.s32 @!p0 $0x0;
	s20 =	sor.u32 @!p0 $0x1000, s19  }
0x3c: {  	[hbm4b:s21+s22] =	stream.linear.scatter @!p0 [tilespmem:s20], [sflag:$0x1], $0x80, $0x38;
	[tilespmem:$0x11080] =	vst v63  }
0x3d: {  	s23 =	sadd.s32 @!p0 $0x80, s21;
	s20 =	sor.u32 @!p0 $0x1400, s19  }
0x3e: {  	[hbm4b:s23+s22] =	stream.linear.scatter @!p0 [tilespmem:s20], [sflag:$0x1], $0x80, $0x38;
	[tilespmem:$0x11080] =	vst v63  }
0x3f: {  	s20 =	sor.u32 @!p0 $0x1800, s19;
	s23 =	sadd.s32 @!p0 $0x100, s21  }
0x40: {  	[hbm4b:s23+s22] =	stream.linear.scatter @!p0 [tilespmem:s20], [sflag:$0x1], $0x80, $0x38;
	[tilespmem:$0x11080] =	vst v63  }
0x41: {  	s20 =	sor.u32 @!p0 $0x1C00, s19;
	s23 =	sadd.s32 @!p0 $0x180, s21  }
0x42: {  	[hbm4b:s23+s22] =	stream.linear.scatter @!p0 [tilespmem:s20], [sflag:$0x1], $0x80, $0x38;
	[tilespmem:$0x11080] =	vst v63  }
0x43: {  	s20 =	sor.u32 @!p0 $0x2000, s19;
	s23 =	sadd.s32 @!p0 $0x200, s21  }
0x44: {  	[hbm4b:s23+s22] =	stream.linear.scatter @!p0 [tilespmem:s20], [sflag:$0x1], $0x80, $0x38;
	[tilespmem:$0x11080] =	vst v63  }
0x45: {  	s20 =	sor.u32 @!p0 $0x2400, s19;
	s23 =	sadd.s32 @!p0 $0x280, s21  }
0x46: {  	[hbm4b:s23+s22] =	stream.linear.scatter @!p0 [tilespmem:s20], [sflag:$0x1], $0x80, $0x38;
	[tilespmem:$0x11080] =	vst v63  }
0x47: {  	s20 =	sor.u32 @!p0 $0x2800, s19;
	s23 =	sadd.s32 @!p0 $0x300, s21  }
0x48: {  	[hbm4b:s23+s22] =	stream.linear.scatter @!p0 [tilespmem:s20], [sflag:$0x1], $0x80, $0x38;
	[tilespmem:$0x11080] =	vst v63  }
0x49: {  	s20 =	sor.u32 @!p0 $0x2C00, s19;
	s23 =	sadd.s32 @!p0 $0x380, s21  }
0x4a: {  	[hbm4b:s23+s22] =	stream.linear.scatter @!p0 [tilespmem:s20], [sflag:$0x1], $0x80, $0x38;
	[tilespmem:$0x11080] =	vst v63  }
0x4b: {  	s20 =	sor.u32 @!p0 $0x3000, s19;
	s23 =	sadd.s32 @!p0 $0x400, s21  }
0x4c: {  	[hbm4b:s23+s22] =	stream.linear.scatter @!p0 [tilespmem:s20], [sflag:$0x1], $0x80, $0x38;
	[tilespmem:$0x11080] =	vst v63  }
0x4d: {  	s20 =	sor.u32 @!p0 $0x3400, s19;
	s23 =	sadd.s32 @!p0 $0x480, s21  }
0x4e: {  	[hbm4b:s23+s22] =	stream.linear.scatter @!p0 [tilespmem:s20], [sflag:$0x1], $0x80, $0x38;
	[tilespmem:$0x11080] =	vst v63  }
0x4f: {  	s20 =	sor.u32 @!p0 $0x3800, s19;
	s23 =	sadd.s32 @!p0 $0x500, s21  }
0x50: {  	[hbm4b:s23+s22] =	stream.linear.scatter @!p0 [tilespmem:s20], [sflag:$0x1], $0x80, $0x38;
	[tilespmem:$0x11080] =	vst v63  }
0x51: {  	s20 =	sor.u32 @!p0 $0x3C00, s19;
	s23 =	sadd.s32 @!p0 $0x580, s21  }
0x52: {  	[hbm4b:s23+s22] =	stream.linear.scatter @!p0 [tilespmem:s20], [sflag:$0x1], $0x80, $0x38;
	[tilespmem:$0x11080] =	vst v63  }
0x53: {  	s20 =	sadd.s32 @!p0 $0x4000, s19;
	s23 =	sadd.s32 @!p0 $0x600, s21  }
0x54: {  	[hbm4b:s23+s22] =	stream.linear.scatter @!p0 [tilespmem:s20], [sflag:$0x1], $0x80, $0x38;
	[tilespmem:$0x11080] =	vst v63  }
0x55: {  	s20 =	sadd.s32 @!p0 $0x4400, s19;
	s23 =	sadd.s32 @!p0 $0x680, s21  }
0x56: {  	[hbm4b:s23+s22] =	stream.linear.scatter @!p0 [tilespmem:s20], [sflag:$0x1], $0x80, $0x38;
	[tilespmem:$0x11080] =	vst v63  }
0x57: {  	s20 =	sadd.s32 @!p0 $0x4800, s19;
	s23 =	sadd.s32 @!p0 $0x700, s21  }
0x58: {  	[hbm4b:s23+s22] =	stream.linear.scatter @!p0 [tilespmem:s20], [sflag:$0x1], $0x80, $0x38;
	[tilespmem:$0x11080] =	vst v63  }
0x59: {  	s19 =	sadd.s32 @!p0 $0x4C00, s19;
	s20 =	sadd.s32 @!p0 $0x780, s21  }
0x5a: {  	[hbm4b:s20+s22] =	stream.linear.scatter @!p0 [tilespmem:s19], [sflag:$0x1], $0x80, $0x38;
	[tilespmem:$0x11080] =	vst v63  }
0x5b: {  	p0 =	slt.s32 s18, $0x0  }
0x5c: {  	s19 =	sshll.u32 @!p0 s18, $0xB;
	s18 =	sshll.u32 @!p0 s18, $0x7  }
0x5d: {  	s19 =	sand.u32 @!p0 $0xFFFFC000, s19;
	s18 =	sand.u32 @!p0 $0x380, s18  }
0x5e: {  	s18 =	sor.u32 @!p0 s18, s19;
	s19 =	sadd.s32 @!p0 s15, s8  }
0x5f: {  	s22 =	simm.s32 @!p0 $0x0;
	s20 =	sor.u32 @!p0 $0x1000, s18;
	s21 =	sadd.s32 @!p0 $0x10, s19  }
0x60: {  	[hbm4b:s21+s22] =	stream.linear.scatter @!p0 [tilespmem:s20], [sflag:$0x1], $0x80, $0x38;
	[tilespmem:$0x11080] =	vst v63  }
0x61: {  	s20 =	sor.u32 @!p0 $0x1400, s18;
	s21 =	sadd.s32 @!p0 $0x90, s19  }
0x62: {  	[hbm4b:s21+s22] =	stream.linear.scatter @!p0 [tilespmem:s20], [sflag:$0x1], $0x80, $0x38;
	[tilespmem:$0x11080] =	vst v63  }
0x63: {  	s20 =	sor.u32 @!p0 $0x1800, s18;
	s21 =	sadd.s32 @!p0 $0x110, s19  }
0x64: {  	[hbm4b:s21+s22] =	stream.linear.scatter @!p0 [tilespmem:s20], [sflag:$0x1], $0x80, $0x38;
	[tilespmem:$0x11080] =	vst v63  }
0x65: {  	s20 =	sor.u32 @!p0 $0x1C00, s18;
	s21 =	sadd.s32 @!p0 $0x190, s19  }
0x66: {  	[hbm4b:s21+s22] =	stream.linear.scatter @!p0 [tilespmem:s20], [sflag:$0x1], $0x80, $0x38;
	[tilespmem:$0x11080] =	vst v63  }
0x67: {  	s20 =	sor.u32 @!p0 $0x2000, s18;
	s21 =	sadd.s32 @!p0 $0x210, s19  }
0x68: {  	[hbm4b:s21+s22] =	stream.linear.scatter @!p0 [tilespmem:s20], [sflag:$0x1], $0x80, $0x38;
	[tilespmem:$0x11080] =	vst v63  }
0x69: {  	s20 =	sor.u32 @!p0 $0x2400, s18;
	s21 =	sadd.s32 @!p0 $0x290, s19  }
0x6a: {  	[hbm4b:s21+s22] =	stream.linear.scatter @!p0 [tilespmem:s20], [sflag:$0x1], $0x80, $0x38;
	[tilespmem:$0x11080] =	vst v63  }
0x6b: {  	s20 =	sor.u32 @!p0 $0x2800, s18;
	s21 =	sadd.s32 @!p0 $0x310, s19  }
0x6c: {  	[hbm4b:s21+s22] =	stream.linear.scatter @!p0 [tilespmem:s20], [sflag:$0x1], $0x80, $0x38;
	[tilespmem:$0x11080] =	vst v63  }
0x6d: {  	s20 =	sor.u32 @!p0 $0x2C00, s18;
	s21 =	sadd.s32 @!p0 $0x390, s19  }
0x6e: {  	[hbm4b:s21+s22] =	stream.linear.scatter @!p0 [tilespmem:s20], [sflag:$0x1], $0x80, $0x38;
	[tilespmem:$0x11080] =	vst v63  }
0x6f: {  	s20 =	sor.u32 @!p0 $0x3000, s18;
	s21 =	sadd.s32 @!p0 $0x410, s19  }
0x70: {  	[hbm4b:s21+s22] =	stream.linear.scatter @!p0 [tilespmem:s20], [sflag:$0x1], $0x80, $0x38;
	[tilespmem:$0x11080] =	vst v63  }
0x71: {  	s20 =	sor.u32 @!p0 $0x3400, s18;
	s21 =	sadd.s32 @!p0 $0x490, s19  }
0x72: {  	[hbm4b:s21+s22] =	stream.linear.scatter @!p0 [tilespmem:s20], [sflag:$0x1], $0x80, $0x38;
	[tilespmem:$0x11080] =	vst v63  }
0x73: {  	s20 =	sor.u32 @!p0 $0x3800, s18;
	s21 =	sadd.s32 @!p0 $0x510, s19  }
0x74: {  	[hbm4b:s21+s22] =	stream.linear.scatter @!p0 [tilespmem:s20], [sflag:$0x1], $0x80, $0x38;
	[tilespmem:$0x11080] =	vst v63  }
0x75: {  	s20 =	sor.u32 @!p0 $0x3C00, s18;
	s21 =	sadd.s32 @!p0 $0x590, s19  }
0x76: {  	[hbm4b:s21+s22] =	stream.linear.scatter @!p0 [tilespmem:s20], [sflag:$0x1], $0x80, $0x38;
	[tilespmem:$0x11080] =	vst v63  }
0x77: {  	s20 =	sadd.s32 @!p0 $0x4000, s18;
	s21 =	sadd.s32 @!p0 $0x610, s19  }
0x78: {  	[hbm4b:s21+s22] =	stream.linear.scatter @!p0 [tilespmem:s20], [sflag:$0x1], $0x80, $0x38;
	[tilespmem:$0x11080] =	vst v63  }
0x79: {  	s20 =	sadd.s32 @!p0 $0x4400, s18;
	s21 =	sadd.s32 @!p0 $0x690, s19  }
0x7a: {  	[hbm4b:s21+s22] =	stream.linear.scatter @!p0 [tilespmem:s20], [sflag:$0x1], $0x80, $0x38;
	[tilespmem:$0x11080] =	vst v63  }
0x7b: {  	s20 =	sadd.s32 @!p0 $0x4800, s18;
	s21 =	sadd.s32 @!p0 $0x710, s19  }
0x7c: {  	[hbm4b:s21+s22] =	stream.linear.scatter @!p0 [tilespmem:s20], [sflag:$0x1], $0x80, $0x38;
	[tilespmem:$0x11080] =	vst v63  }
0x7d: {  	s18 =	sadd.s32 @!p0 $0x4C00, s18;
	s19 =	sadd.s32 @!p0 $0x790, s19  }
0x7e: {  	[hbm4b:s19+s22] =	stream.linear.scatter @!p0 [tilespmem:s18], [sflag:$0x1], $0x80, $0x38;
	[tilespmem:$0x11080] =	vst v63  }
0x7f: {  	p0 =	slt.s32 s17, $0x0  }
0x80: {  	s18 =	sshll.u32 @!p0 s17, $0xB;
	s17 =	sshll.u32 @!p0 s17, $0x7  }
0x81: {  	s18 =	sand.u32 @!p0 $0xFFFFC000, s18;
	s17 =	sand.u32 @!p0 $0x380, s17  }
0x82: {  	s17 =	sor.u32 @!p0 s17, s18;
	s18 =	sadd.s32 @!p0 s15, s8  }
0x83: {  	s21 =	simm.s32 @!p0 $0x0;
	s19 =	sor.u32 @!p0 $0x1000, s17;
	s20 =	sadd.s32 @!p0 $0x20, s18  }
0x84: {  	[hbm4b:s20+s21] =	stream.linear.scatter @!p0 [tilespmem:s19], [sflag:$0x1], $0x80, $0x38;
	[tilespmem:$0x11080] =	vst v63  }
0x85: {  	s19 =	sor.u32 @!p0 $0x1400, s17;
	s20 =	sadd.s32 @!p0 $0xA0, s18  }
0x86: {  	[hbm4b:s20+s21] =	stream.linear.scatter @!p0 [tilespmem:s19], [sflag:$0x1], $0x80, $0x38;
	[tilespmem:$0x11080] =	vst v63  }
0x87: {  	s19 =	sor.u32 @!p0 $0x1800, s17;
	s20 =	sadd.s32 @!p0 $0x120, s18  }
0x88: {  	[hbm4b:s20+s21] =	stream.linear.scatter @!p0 [tilespmem:s19], [sflag:$0x1], $0x80, $0x38;
	[tilespmem:$0x11080] =	vst v63  }
0x89: {  	s19 =	sor.u32 @!p0 $0x1C00, s17;
	s20 =	sadd.s32 @!p0 $0x1A0, s18  }
0x8a: {  	[hbm4b:s20+s21] =	stream.linear.scatter @!p0 [tilespmem:s19], [sflag:$0x1], $0x80, $0x38;
	[tilespmem:$0x11080] =	vst v63  }
0x8b: {  	s19 =	sor.u32 @!p0 $0x2000, s17;
	s20 =	sadd.s32 @!p0 $0x220, s18  }
0x8c: {  	[hbm4b:s20+s21] =	stream.linear.scatter @!p0 [tilespmem:s19], [sflag:$0x1], $0x80, $0x38;
	[tilespmem:$0x11080] =	vst v63  }
0x8d: {  	s19 =	sor.u32 @!p0 $0x2400, s17;
	s20 =	sadd.s32 @!p0 $0x2A0, s18  }
0x8e: {  	[hbm4b:s20+s21] =	stream.linear.scatter @!p0 [tilespmem:s19], [sflag:$0x1], $0x80, $0x38;
	[tilespmem:$0x11080] =	vst v63  }
0x8f: {  	s19 =	sor.u32 @!p0 $0x2800, s17;
	s20 =	sadd.s32 @!p0 $0x320, s18  }
0x90: {  	[hbm4b:s20+s21] =	stream.linear.scatter @!p0 [tilespmem:s19], [sflag:$0x1], $0x80, $0x38;
	[tilespmem:$0x11080] =	vst v63  }
0x91: {  	s19 =	sor.u32 @!p0 $0x2C00, s17;
	s20 =	sadd.s32 @!p0 $0x3A0, s18  }
0x92: {  	[hbm4b:s20+s21] =	stream.linear.scatter @!p0 [tilespmem:s19], [sflag:$0x1], $0x80, $0x38;
	[tilespmem:$0x11080] =	vst v63  }
0x93: {  	s19 =	sor.u32 @!p0 $0x3000, s17;
	s20 =	sadd.s32 @!p0 $0x420, s18  }
0x94: {  	[hbm4b:s20+s21] =	stream.linear.scatter @!p0 [tilespmem:s19], [sflag:$0x1], $0x80, $0x38;
	[tilespmem:$0x11080] =	vst v63  }
0x95: {  	s19 =	sor.u32 @!p0 $0x3400, s17;
	s20 =	sadd.s32 @!p0 $0x4A0, s18  }
0x96: {  	[hbm4b:s20+s21] =	stream.linear.scatter @!p0 [tilespmem:s19], [sflag:$0x1], $0x80, $0x38;
	[tilespmem:$0x11080] =	vst v63  }
0x97: {  	s19 =	sor.u32 @!p0 $0x3800, s17;
	s20 =	sadd.s32 @!p0 $0x520, s18  }
0x98: {  	[hbm4b:s20+s21] =	stream.linear.scatter @!p0 [tilespmem:s19], [sflag:$0x1], $0x80, $0x38;
	[tilespmem:$0x11080] =	vst v63  }
0x99: {  	s19 =	sor.u32 @!p0 $0x3C00, s17;
	s20 =	sadd.s32 @!p0 $0x5A0, s18  }
0x9a: {  	[hbm4b:s20+s21] =	stream.linear.scatter @!p0 [tilespmem:s19], [sflag:$0x1], $0x80, $0x38;
	[tilespmem:$0x11080] =	vst v63  }
0x9b: {  	s19 =	sadd.s32 @!p0 $0x4000, s17;
	s20 =	sadd.s32 @!p0 $0x620, s18  }
0x9c: {  	[hbm4b:s20+s21] =	stream.linear.scatter @!p0 [tilespmem:s19], [sflag:$0x1], $0x80, $0x38;
	[tilespmem:$0x11080] =	vst v63  }
0x9d: {  	s19 =	sadd.s32 @!p0 $0x4400, s17;
	s20 =	sadd.s32 @!p0 $0x6A0, s18  }
0x9e: {  	[hbm4b:s20+s21] =	stream.linear.scatter @!p0 [tilespmem:s19], [sflag:$0x1], $0x80, $0x38;
	[tilespmem:$0x11080] =	vst v63  }
0x9f: {  	s19 =	sadd.s32 @!p0 $0x4800, s17;
	s20 =	sadd.s32 @!p0 $0x720, s18  }
0xa0: {  	[hbm4b:s20+s21] =	stream.linear.scatter @!p0 [tilespmem:s19], [sflag:$0x1], $0x80, $0x38;
	[tilespmem:$0x11080] =	vst v63  }
0xa1: {  	s17 =	sadd.s32 @!p0 $0x4C00, s17;
	s18 =	sadd.s32 @!p0 $0x7A0, s18  }
0xa2: {  	[hbm4b:s18+s21] =	stream.linear.scatter @!p0 [tilespmem:s17], [sflag:$0x1], $0x80, $0x38;
	[tilespmem:$0x11080] =	vst v63  }
0xa3: {  	p0 =	slt.s32 s16, $0x0  }
0xa4: {  	s17 =	sshll.u32 @!p0 s16, $0xB;
	s16 =	sshll.u32 @!p0 s16, $0x7  }
0xa5: {  	s17 =	sand.u32 @!p0 $0xFFFFC000, s17;
	s16 =	sand.u32 @!p0 $0x380, s16  }
0xa6: {  	s16 =	sor.u32 @!p0 s16, s17;
	s17 =	sadd.s32 @!p0 s15, s8  }
0xa7: {  	s20 =	simm.s32 @!p0 $0x0;
	s18 =	sor.u32 @!p0 $0x1000, s16;
	s19 =	sadd.s32 @!p0 $0x30, s17  }
0xa8: {  	[hbm4b:s19+s20] =	stream.linear.scatter @!p0 [tilespmem:s18], [sflag:$0x1], $0x80, $0x38;
	[tilespmem:$0x11080] =	vst v63  }
0xa9: {  	s18 =	sor.u32 @!p0 $0x1400, s16;
	s19 =	sadd.s32 @!p0 $0xB0, s17  }
0xaa: {  	[hbm4b:s19+s20] =	stream.linear.scatter @!p0 [tilespmem:s18], [sflag:$0x1], $0x80, $0x38;
	[tilespmem:$0x11080] =	vst v63  }
0xab: {  	s18 =	sor.u32 @!p0 $0x1800, s16;
	s19 =	sadd.s32 @!p0 $0x130, s17  }
0xac: {  	[hbm4b:s19+s20] =	stream.linear.scatter @!p0 [tilespmem:s18], [sflag:$0x1], $0x80, $0x38;
	[tilespmem:$0x11080] =	vst v63  }
0xad: {  	s18 =	sor.u32 @!p0 $0x1C00, s16;
	s19 =	sadd.s32 @!p0 $0x1B0, s17  }
0xae: {  	[hbm4b:s19+s20] =	stream.linear.scatter @!p0 [tilespmem:s18], [sflag:$0x1], $0x80, $0x38;
	[tilespmem:$0x11080] =	vst v63  }
0xaf: {  	s18 =	sor.u32 @!p0 $0x2000, s16;
	s19 =	sadd.s32 @!p0 $0x230, s17  }
0xb0: {  	[hbm4b:s19+s20] =	stream.linear.scatter @!p0 [tilespmem:s18], [sflag:$0x1], $0x80, $0x38;
	[tilespmem:$0x11080] =	vst v63  }
0xb1: {  	s18 =	sor.u32 @!p0 $0x2400, s16;
	s19 =	sadd.s32 @!p0 $0x2B0, s17  }
0xb2: {  	[hbm4b:s19+s20] =	stream.linear.scatter @!p0 [tilespmem:s18], [sflag:$0x1], $0x80, $0x38;
	[tilespmem:$0x11080] =	vst v63  }
0xb3: {  	s18 =	sor.u32 @!p0 $0x2800, s16;
	s19 =	sadd.s32 @!p0 $0x330, s17  }
0xb4: {  	[hbm4b:s19+s20] =	stream.linear.scatter @!p0 [tilespmem:s18], [sflag:$0x1], $0x80, $0x38;
	[tilespmem:$0x11080] =	vst v63  }
0xb5: {  	s18 =	sor.u32 @!p0 $0x2C00, s16;
	s19 =	sadd.s32 @!p0 $0x3B0, s17  }
0xb6: {  	[hbm4b:s19+s20] =	stream.linear.scatter @!p0 [tilespmem:s18], [sflag:$0x1], $0x80, $0x38;
	[tilespmem:$0x11080] =	vst v63  }
0xb7: {  	s18 =	sor.u32 @!p0 $0x3000, s16;
	s19 =	sadd.s32 @!p0 $0x430, s17  }
0xb8: {  	[hbm4b:s19+s20] =	stream.linear.scatter @!p0 [tilespmem:s18], [sflag:$0x1], $0x80, $0x38;
	[tilespmem:$0x11080] =	vst v63  }
0xb9: {  	s18 =	sor.u32 @!p0 $0x3400, s16;
	s19 =	sadd.s32 @!p0 $0x4B0, s17  }
0xba: {  	[hbm4b:s19+s20] =	stream.linear.scatter @!p0 [tilespmem:s18], [sflag:$0x1], $0x80, $0x38;
	[tilespmem:$0x11080] =	vst v63  }
0xbb: {  	s18 =	sor.u32 @!p0 $0x3800, s16;
	s19 =	sadd.s32 @!p0 $0x530, s17  }
0xbc: {  	[hbm4b:s19+s20] =	stream.linear.scatter @!p0 [tilespmem:s18], [sflag:$0x1], $0x80, $0x38;
	[tilespmem:$0x11080] =	vst v63  }
0xbd: {  	s18 =	sor.u32 @!p0 $0x3C00, s16;
	s19 =	sadd.s32 @!p0 $0x5B0, s17  }
0xbe: {  	[hbm4b:s19+s20] =	stream.linear.scatter @!p0 [tilespmem:s18], [sflag:$0x1], $0x80, $0x38;
	[tilespmem:$0x11080] =	vst v63  }
0xbf: {  	s18 =	sadd.s32 @!p0 $0x4000, s16;
	s19 =	sadd.s32 @!p0 $0x630, s17  }
0xc0: {  	[hbm4b:s19+s20] =	stream.linear.scatter @!p0 [tilespmem:s18], [sflag:$0x1], $0x80, $0x38;
	[tilespmem:$0x11080] =	vst v63  }
0xc1: {  	s18 =	sadd.s32 @!p0 $0x4400, s16;
	s19 =	sadd.s32 @!p0 $0x6B0, s17  }
0xc2: {  	[hbm4b:s19+s20] =	stream.linear.scatter @!p0 [tilespmem:s18], [sflag:$0x1], $0x80, $0x38;
	[tilespmem:$0x11080] =	vst v63  }
0xc3: {  	s18 =	sadd.s32 @!p0 $0x4800, s16;
	s19 =	sadd.s32 @!p0 $0x730, s17  }
0xc4: {  	[hbm4b:s19+s20] =	stream.linear.scatter @!p0 [tilespmem:s18], [sflag:$0x1], $0x80, $0x38;
	[tilespmem:$0x11080] =	vst v63  }
0xc5: {  	s16 =	sadd.s32 @!p0 $0x4C00, s16;
	s17 =	sadd.s32 @!p0 $0x7B0, s17  }
0xc6: {  	[hbm4b:s17+s20] =	stream.linear.scatter @!p0 [tilespmem:s16], [sflag:$0x1], $0x80, $0x38;
	[tilespmem:$0x11080] =	vst v63  }
.LBB2_4:
0xc7: {  	(v2sf) =	vpush v3, $0x4  }
0xc8: {  	(v2sf) =	vpush v3, $0x5  }
0xc9: {  	(v2sf) =	vpush v3, $0x6  }
0xca: {  	(v2sf) =	vpush v3, $0x7;
	_ =	sdelay $0xb  }
0xcb: {  	s19 =	spop (v2sf)  }
0xcc: {  	s18 =	spop (v2sf)  }
0xcd: {  	s17 =	spop (v2sf);
	s20 =	sand.u32 s18, s19  }
0xce: {  	s16 =	spop (v2sf);
	s20 =	sand.u32 s17, s20  }
0xcf: {  	s20 =	sand.u32 s16, s20  }
0xd0: {  	p0 =	slt.s32 s20, $0x0  }
.Ltmp5:
0xd1: {  	_ = 	snop;
	(pc) =	sbr.rel @p0 .LBB2_6-.Ltmp5, $1  }
0xd2: {  	_ =	sdelay $0x3  }
0xd3: {  	p0 =	slt.s32 s19, $0x0  }
0xd4: {  	s20 =	sshll.u32 @!p0 s19, $0xB;
	s19 =	sshll.u32 @!p0 s19, $0x7  }
0xd5: {  	s20 =	sand.u32 @!p0 $0xFFFFC000, s20;
	s19 =	sand.u32 @!p0 $0x380, s19  }
0xd6: {  	s19 =	sor.u32 @!p0 s19, s20;
	s20 =	sadd.s32 @!p0 s15, s8  }
0xd7: {  	s23 =	simm.s32 @!p0 $0x0;
	s21 =	sor.u32 @!p0 $0x1000, s19;
	s22 =	sadd.s32 @!p0 $0x40, s20  }
0xd8: {  	[hbm4b:s22+s23] =	stream.linear.scatter @!p0 [tilespmem:s21], [sflag:$0x1], $0x80, $0x38;
	[tilespmem:$0x11080] =	vst v63  }
0xd9: {  	s21 =	sor.u32 @!p0 $0x1400, s19;
	s22 =	sadd.s32 @!p0 $0xC0, s20  }
0xda: {  	[hbm4b:s22+s23] =	stream.linear.scatter @!p0 [tilespmem:s21], [sflag:$0x1], $0x80, $0x38;
	[tilespmem:$0x11080] =	vst v63  }
0xdb: {  	s21 =	sor.u32 @!p0 $0x1800, s19;
	s22 =	sadd.s32 @!p0 $0x140, s20  }
0xdc: {  	[hbm4b:s22+s23] =	stream.linear.scatter @!p0 [tilespmem:s21], [sflag:$0x1], $0x80, $0x38;
	[tilespmem:$0x11080] =	vst v63  }
0xdd: {  	s21 =	sor.u32 @!p0 $0x1C00, s19;
	s22 =	sadd.s32 @!p0 $0x1C0, s20  }
0xde: {  	[hbm4b:s22+s23] =	stream.linear.scatter @!p0 [tilespmem:s21], [sflag:$0x1], $0x80, $0x38;
	[tilespmem:$0x11080] =	vst v63  }
0xdf: {  	s21 =	sor.u32 @!p0 $0x2000, s19;
	s22 =	sadd.s32 @!p0 $0x240, s20  }
0xe0: {  	[hbm4b:s22+s23] =	stream.linear.scatter @!p0 [tilespmem:s21], [sflag:$0x1], $0x80, $0x38;
	[tilespmem:$0x11080] =	vst v63  }
0xe1: {  	s21 =	sor.u32 @!p0 $0x2400, s19;
	s22 =	sadd.s32 @!p0 $0x2C0, s20  }
0xe2: {  	[hbm4b:s22+s23] =	stream.linear.scatter @!p0 [tilespmem:s21], [sflag:$0x1], $0x80, $0x38;
	[tilespmem:$0x11080] =	vst v63  }
0xe3: {  	s21 =	sor.u32 @!p0 $0x2800, s19;
	s22 =	sadd.s32 @!p0 $0x340, s20  }
0xe4: {  	[hbm4b:s22+s23] =	stream.linear.scatter @!p0 [tilespmem:s21], [sflag:$0x1], $0x80, $0x38;
	[tilespmem:$0x11080] =	vst v63  }
0xe5: {  	s21 =	sor.u32 @!p0 $0x2C00, s19;
	s22 =	sadd.s32 @!p0 $0x3C0, s20  }
0xe6: {  	[hbm4b:s22+s23] =	stream.linear.scatter @!p0 [tilespmem:s21], [sflag:$0x1], $0x80, $0x38;
	[tilespmem:$0x11080] =	vst v63  }
0xe7: {  	s21 =	sor.u32 @!p0 $0x3000, s19;
	s22 =	sadd.s32 @!p0 $0x440, s20  }
0xe8: {  	[hbm4b:s22+s23] =	stream.linear.scatter @!p0 [tilespmem:s21], [sflag:$0x1], $0x80, $0x38;
	[tilespmem:$0x11080] =	vst v63  }
0xe9: {  	s21 =	sor.u32 @!p0 $0x3400, s19;
	s22 =	sadd.s32 @!p0 $0x4C0, s20  }
0xea: {  	[hbm4b:s22+s23] =	stream.linear.scatter @!p0 [tilespmem:s21], [sflag:$0x1], $0x80, $0x38;
	[tilespmem:$0x11080] =	vst v63  }
0xeb: {  	s21 =	sor.u32 @!p0 $0x3800, s19;
	s22 =	sadd.s32 @!p0 $0x540, s20  }
0xec: {  	[hbm4b:s22+s23] =	stream.linear.scatter @!p0 [tilespmem:s21], [sflag:$0x1], $0x80, $0x38;
	[tilespmem:$0x11080] =	vst v63  }
0xed: {  	s21 =	sor.u32 @!p0 $0x3C00, s19;
	s22 =	sadd.s32 @!p0 $0x5C0, s20  }
0xee: {  	[hbm4b:s22+s23] =	stream.linear.scatter @!p0 [tilespmem:s21], [sflag:$0x1], $0x80, $0x38;
	[tilespmem:$0x11080] =	vst v63  }
0xef: {  	s21 =	sadd.s32 @!p0 $0x4000, s19;
	s22 =	sadd.s32 @!p0 $0x640, s20  }
0xf0: {  	[hbm4b:s22+s23] =	stream.linear.scatter @!p0 [tilespmem:s21], [sflag:$0x1], $0x80, $0x38;
	[tilespmem:$0x11080] =	vst v63  }
0xf1: {  	s21 =	sadd.s32 @!p0 $0x4400, s19;
	s22 =	sadd.s32 @!p0 $0x6C0, s20  }
0xf2: {  	[hbm4b:s22+s23] =	stream.linear.scatter @!p0 [tilespmem:s21], [sflag:$0x1], $0x80, $0x38;
	[tilespmem:$0x11080] =	vst v63  }
0xf3: {  	s21 =	sadd.s32 @!p0 $0x4800, s19;
	s22 =	sadd.s32 @!p0 $0x740, s20  }
0xf4: {  	[hbm4b:s22+s23] =	stream.linear.scatter @!p0 [tilespmem:s21], [sflag:$0x1], $0x80, $0x38;
	[tilespmem:$0x11080] =	vst v63  }
0xf5: {  	s19 =	sadd.s32 @!p0 $0x4C00, s19;
	s20 =	sadd.s32 @!p0 $0x7C0, s20  }
0xf6: {  	[hbm4b:s20+s23] =	stream.linear.scatter @!p0 [tilespmem:s19], [sflag:$0x1], $0x80, $0x38;
	[tilespmem:$0x11080] =	vst v63  }
0xf7: {  	p0 =	slt.s32 s18, $0x0  }
0xf8: {  	s19 =	sshll.u32 @!p0 s18, $0xB;
	s18 =	sshll.u32 @!p0 s18, $0x7  }
0xf9: {  	s19 =	sand.u32 @!p0 $0xFFFFC000, s19;
	s18 =	sand.u32 @!p0 $0x380, s18  }
0xfa: {  	s18 =	sor.u32 @!p0 s18, s19;
	s19 =	sadd.s32 @!p0 s15, s8  }
0xfb: {  	s22 =	simm.s32 @!p0 $0x0;
	s20 =	sor.u32 @!p0 $0x1000, s18;
	s21 =	sadd.s32 @!p0 $0x50, s19  }
0xfc: {  	[hbm4b:s21+s22] =	stream.linear.scatter @!p0 [tilespmem:s20], [sflag:$0x1], $0x80, $0x38;
	[tilespmem:$0x11080] =	vst v63  }
0xfd: {  	s20 =	sor.u32 @!p0 $0x1400, s18;
	s21 =	sadd.s32 @!p0 $0xD0, s19  }
0xfe: {  	[hbm4b:s21+s22] =	stream.linear.scatter @!p0 [tilespmem:s20], [sflag:$0x1], $0x80, $0x38;
	[tilespmem:$0x11080] =	vst v63  }
0xff: {  	s20 =	sor.u32 @!p0 $0x1800, s18;
	s21 =	sadd.s32 @!p0 $0x150, s19  }
0x100: {  	[hbm4b:s21+s22] =	stream.linear.scatter @!p0 [tilespmem:s20], [sflag:$0x1], $0x80, $0x38;
	[tilespmem:$0x11080] =	vst v63  }
0x101: {  	s20 =	sor.u32 @!p0 $0x1C00, s18;
	s21 =	sadd.s32 @!p0 $0x1D0, s19  }
0x102: {  	[hbm4b:s21+s22] =	stream.linear.scatter @!p0 [tilespmem:s20], [sflag:$0x1], $0x80, $0x38;
	[tilespmem:$0x11080] =	vst v63  }
0x103: {  	s20 =	sor.u32 @!p0 $0x2000, s18;
	s21 =	sadd.s32 @!p0 $0x250, s19  }
0x104: {  	[hbm4b:s21+s22] =	stream.linear.scatter @!p0 [tilespmem:s20], [sflag:$0x1], $0x80, $0x38;
	[tilespmem:$0x11080] =	vst v63  }
0x105: {  	s20 =	sor.u32 @!p0 $0x2400, s18;
	s21 =	sadd.s32 @!p0 $0x2D0, s19  }
0x106: {  	[hbm4b:s21+s22] =	stream.linear.scatter @!p0 [tilespmem:s20], [sflag:$0x1], $0x80, $0x38;
	[tilespmem:$0x11080] =	vst v63  }
0x107: {  	s20 =	sor.u32 @!p0 $0x2800, s18;
	s21 =	sadd.s32 @!p0 $0x350, s19  }
0x108: {  	[hbm4b:s21+s22] =	stream.linear.scatter @!p0 [tilespmem:s20], [sflag:$0x1], $0x80, $0x38;
	[tilespmem:$0x11080] =	vst v63  }
0x109: {  	s20 =	sor.u32 @!p0 $0x2C00, s18;
	s21 =	sadd.s32 @!p0 $0x3D0, s19  }
0x10a: {  	[hbm4b:s21+s22] =	stream.linear.scatter @!p0 [tilespmem:s20], [sflag:$0x1], $0x80, $0x38;
	[tilespmem:$0x11080] =	vst v63  }
0x10b: {  	s20 =	sor.u32 @!p0 $0x3000, s18;
	s21 =	sadd.s32 @!p0 $0x450, s19  }
0x10c: {  	[hbm4b:s21+s22] =	stream.linear.scatter @!p0 [tilespmem:s20], [sflag:$0x1], $0x80, $0x38;
	[tilespmem:$0x11080] =	vst v63  }
0x10d: {  	s20 =	sor.u32 @!p0 $0x3400, s18;
	s21 =	sadd.s32 @!p0 $0x4D0, s19  }
0x10e: {  	[hbm4b:s21+s22] =	stream.linear.scatter @!p0 [tilespmem:s20], [sflag:$0x1], $0x80, $0x38;
	[tilespmem:$0x11080] =	vst v63  }
0x10f: {  	s20 =	sor.u32 @!p0 $0x3800, s18;
	s21 =	sadd.s32 @!p0 $0x550, s19  }
0x110: {  	[hbm4b:s21+s22] =	stream.linear.scatter @!p0 [tilespmem:s20], [sflag:$0x1], $0x80, $0x38;
	[tilespmem:$0x11080] =	vst v63  }
0x111: {  	s20 =	sor.u32 @!p0 $0x3C00, s18;
	s21 =	sadd.s32 @!p0 $0x5D0, s19  }
0x112: {  	[hbm4b:s21+s22] =	stream.linear.scatter @!p0 [tilespmem:s20], [sflag:$0x1], $0x80, $0x38;
	[tilespmem:$0x11080] =	vst v63  }
0x113: {  	s20 =	sadd.s32 @!p0 $0x4000, s18;
	s21 =	sadd.s32 @!p0 $0x650, s19  }
0x114: {  	[hbm4b:s21+s22] =	stream.linear.scatter @!p0 [tilespmem:s20], [sflag:$0x1], $0x80, $0x38;
	[tilespmem:$0x11080] =	vst v63  }
0x115: {  	s20 =	sadd.s32 @!p0 $0x4400, s18;
	s21 =	sadd.s32 @!p0 $0x6D0, s19  }
0x116: {  	[hbm4b:s21+s22] =	stream.linear.scatter @!p0 [tilespmem:s20], [sflag:$0x1], $0x80, $0x38;
	[tilespmem:$0x11080] =	vst v63  }
0x117: {  	s20 =	sadd.s32 @!p0 $0x4800, s18;
	s21 =	sadd.s32 @!p0 $0x750, s19  }
0x118: {  	[hbm4b:s21+s22] =	stream.linear.scatter @!p0 [tilespmem:s20], [sflag:$0x1], $0x80, $0x38;
	[tilespmem:$0x11080] =	vst v63  }
0x119: {  	s18 =	sadd.s32 @!p0 $0x4C00, s18;
	s19 =	sadd.s32 @!p0 $0x7D0, s19  }
0x11a: {  	[hbm4b:s19+s22] =	stream.linear.scatter @!p0 [tilespmem:s18], [sflag:$0x1], $0x80, $0x38;
	[tilespmem:$0x11080] =	vst v63  }
0x11b: {  	p0 =	slt.s32 s17, $0x0  }
0x11c: {  	s18 =	sshll.u32 @!p0 s17, $0xB;
	s17 =	sshll.u32 @!p0 s17, $0x7  }
0x11d: {  	s18 =	sand.u32 @!p0 $0xFFFFC000, s18;
	s17 =	sand.u32 @!p0 $0x380, s17  }
0x11e: {  	s17 =	sor.u32 @!p0 s17, s18;
	s18 =	sadd.s32 @!p0 s15, s8  }
0x11f: {  	s21 =	simm.s32 @!p0 $0x0;
	s19 =	sor.u32 @!p0 $0x1000, s17;
	s20 =	sadd.s32 @!p0 $0x60, s18  }
0x120: {  	[hbm4b:s20+s21] =	stream.linear.scatter @!p0 [tilespmem:s19], [sflag:$0x1], $0x80, $0x38;
	[tilespmem:$0x11080] =	vst v63  }
0x121: {  	s19 =	sor.u32 @!p0 $0x1400, s17;
	s20 =	sadd.s32 @!p0 $0xE0, s18  }
0x122: {  	[hbm4b:s20+s21] =	stream.linear.scatter @!p0 [tilespmem:s19], [sflag:$0x1], $0x80, $0x38;
	[tilespmem:$0x11080] =	vst v63  }
0x123: {  	s19 =	sor.u32 @!p0 $0x1800, s17;
	s20 =	sadd.s32 @!p0 $0x160, s18  }
0x124: {  	[hbm4b:s20+s21] =	stream.linear.scatter @!p0 [tilespmem:s19], [sflag:$0x1], $0x80, $0x38;
	[tilespmem:$0x11080] =	vst v63  }
0x125: {  	s19 =	sor.u32 @!p0 $0x1C00, s17;
	s20 =	sadd.s32 @!p0 $0x1E0, s18  }
0x126: {  	[hbm4b:s20+s21] =	stream.linear.scatter @!p0 [tilespmem:s19], [sflag:$0x1], $0x80, $0x38;
	[tilespmem:$0x11080] =	vst v63  }
0x127: {  	s19 =	sor.u32 @!p0 $0x2000, s17;
	s20 =	sadd.s32 @!p0 $0x260, s18  }
0x128: {  	[hbm4b:s20+s21] =	stream.linear.scatter @!p0 [tilespmem:s19], [sflag:$0x1], $0x80, $0x38;
	[tilespmem:$0x11080] =	vst v63  }
0x129: {  	s19 =	sor.u32 @!p0 $0x2400, s17;
	s20 =	sadd.s32 @!p0 $0x2E0, s18  }
0x12a: {  	[hbm4b:s20+s21] =	stream.linear.scatter @!p0 [tilespmem:s19], [sflag:$0x1], $0x80, $0x38;
	[tilespmem:$0x11080] =	vst v63  }
0x12b: {  	s19 =	sor.u32 @!p0 $0x2800, s17;
	s20 =	sadd.s32 @!p0 $0x360, s18  }
0x12c: {  	[hbm4b:s20+s21] =	stream.linear.scatter @!p0 [tilespmem:s19], [sflag:$0x1], $0x80, $0x38;
	[tilespmem:$0x11080] =	vst v63  }
0x12d: {  	s19 =	sor.u32 @!p0 $0x2C00, s17;
	s20 =	sadd.s32 @!p0 $0x3E0, s18  }
0x12e: {  	[hbm4b:s20+s21] =	stream.linear.scatter @!p0 [tilespmem:s19], [sflag:$0x1], $0x80, $0x38;
	[tilespmem:$0x11080] =	vst v63  }
0x12f: {  	s19 =	sor.u32 @!p0 $0x3000, s17;
	s20 =	sadd.s32 @!p0 $0x460, s18  }
0x130: {  	[hbm4b:s20+s21] =	stream.linear.scatter @!p0 [tilespmem:s19], [sflag:$0x1], $0x80, $0x38;
	[tilespmem:$0x11080] =	vst v63  }
0x131: {  	s19 =	sor.u32 @!p0 $0x3400, s17;
	s20 =	sadd.s32 @!p0 $0x4E0, s18  }
0x132: {  	[hbm4b:s20+s21] =	stream.linear.scatter @!p0 [tilespmem:s19], [sflag:$0x1], $0x80, $0x38;
	[tilespmem:$0x11080] =	vst v63  }
0x133: {  	s19 =	sor.u32 @!p0 $0x3800, s17;
	s20 =	sadd.s32 @!p0 $0x560, s18  }
0x134: {  	[hbm4b:s20+s21] =	stream.linear.scatter @!p0 [tilespmem:s19], [sflag:$0x1], $0x80, $0x38;
	[tilespmem:$0x11080] =	vst v63  }
0x135: {  	s19 =	sor.u32 @!p0 $0x3C00, s17;
	s20 =	sadd.s32 @!p0 $0x5E0, s18  }
0x136: {  	[hbm4b:s20+s21] =	stream.linear.scatter @!p0 [tilespmem:s19], [sflag:$0x1], $0x80, $0x38;
	[tilespmem:$0x11080] =	vst v63  }
0x137: {  	s19 =	sadd.s32 @!p0 $0x4000, s17;
	s20 =	sadd.s32 @!p0 $0x660, s18  }
0x138: {  	[hbm4b:s20+s21] =	stream.linear.scatter @!p0 [tilespmem:s19], [sflag:$0x1], $0x80, $0x38;
	[tilespmem:$0x11080] =	vst v63  }
0x139: {  	s19 =	sadd.s32 @!p0 $0x4400, s17;
	s20 =	sadd.s32 @!p0 $0x6E0, s18  }
0x13a: {  	[hbm4b:s20+s21] =	stream.linear.scatter @!p0 [tilespmem:s19], [sflag:$0x1], $0x80, $0x38;
	[tilespmem:$0x11080] =	vst v63  }
0x13b: {  	s19 =	sadd.s32 @!p0 $0x4800, s17;
	s20 =	sadd.s32 @!p0 $0x760, s18  }
0x13c: {  	[hbm4b:s20+s21] =	stream.linear.scatter @!p0 [tilespmem:s19], [sflag:$0x1], $0x80, $0x38;
	[tilespmem:$0x11080] =	vst v63  }
0x13d: {  	s17 =	sadd.s32 @!p0 $0x4C00, s17;
	s18 =	sadd.s32 @!p0 $0x7E0, s18  }
0x13e: {  	[hbm4b:s18+s21] =	stream.linear.scatter @!p0 [tilespmem:s17], [sflag:$0x1], $0x80, $0x38;
	[tilespmem:$0x11080] =	vst v63  }
0x13f: {  	p0 =	slt.s32 s16, $0x0  }
0x140: {  	s17 =	sshll.u32 @!p0 s16, $0xB;
	s16 =	sshll.u32 @!p0 s16, $0x7  }
0x141: {  	s17 =	sand.u32 @!p0 $0xFFFFC000, s17;
	s16 =	sand.u32 @!p0 $0x380, s16  }
0x142: {  	s16 =	sor.u32 @!p0 s16, s17;
	s17 =	sadd.s32 @!p0 s15, s8  }
0x143: {  	s20 =	simm.s32 @!p0 $0x0;
	s18 =	sor.u32 @!p0 $0x1000, s16;
	s19 =	sadd.s32 @!p0 $0x70, s17  }
0x144: {  	[hbm4b:s19+s20] =	stream.linear.scatter @!p0 [tilespmem:s18], [sflag:$0x1], $0x80, $0x38;
	[tilespmem:$0x11080] =	vst v63  }
0x145: {  	s18 =	sor.u32 @!p0 $0x1400, s16;
	s19 =	sadd.s32 @!p0 $0xF0, s17  }
0x146: {  	[hbm4b:s19+s20] =	stream.linear.scatter @!p0 [tilespmem:s18], [sflag:$0x1], $0x80, $0x38;
	[tilespmem:$0x11080] =	vst v63  }
0x147: {  	s18 =	sor.u32 @!p0 $0x1800, s16;
	s19 =	sadd.s32 @!p0 $0x170, s17  }
0x148: {  	[hbm4b:s19+s20] =	stream.linear.scatter @!p0 [tilespmem:s18], [sflag:$0x1], $0x80, $0x38;
	[tilespmem:$0x11080] =	vst v63  }
0x149: {  	s18 =	sor.u32 @!p0 $0x1C00, s16;
	s19 =	sadd.s32 @!p0 $0x1F0, s17  }
0x14a: {  	[hbm4b:s19+s20] =	stream.linear.scatter @!p0 [tilespmem:s18], [sflag:$0x1], $0x80, $0x38;
	[tilespmem:$0x11080] =	vst v63  }
0x14b: {  	s18 =	sor.u32 @!p0 $0x2000, s16;
	s19 =	sadd.s32 @!p0 $0x270, s17  }
0x14c: {  	[hbm4b:s19+s20] =	stream.linear.scatter @!p0 [tilespmem:s18], [sflag:$0x1], $0x80, $0x38;
	[tilespmem:$0x11080] =	vst v63  }
0x14d: {  	s18 =	sor.u32 @!p0 $0x2400, s16;
	s19 =	sadd.s32 @!p0 $0x2F0, s17  }
0x14e: {  	[hbm4b:s19+s20] =	stream.linear.scatter @!p0 [tilespmem:s18], [sflag:$0x1], $0x80, $0x38;
	[tilespmem:$0x11080] =	vst v63  }
0x14f: {  	s18 =	sor.u32 @!p0 $0x2800, s16;
	s19 =	sadd.s32 @!p0 $0x370, s17  }
0x150: {  	[hbm4b:s19+s20] =	stream.linear.scatter @!p0 [tilespmem:s18], [sflag:$0x1], $0x80, $0x38;
	[tilespmem:$0x11080] =	vst v63  }
0x151: {  	s18 =	sor.u32 @!p0 $0x2C00, s16;
	s19 =	sadd.s32 @!p0 $0x3F0, s17  }
0x152: {  	[hbm4b:s19+s20] =	stream.linear.scatter @!p0 [tilespmem:s18], [sflag:$0x1], $0x80, $0x38;
	[tilespmem:$0x11080] =	vst v63  }
0x153: {  	s18 =	sor.u32 @!p0 $0x3000, s16;
	s19 =	sadd.s32 @!p0 $0x470, s17  }
0x154: {  	[hbm4b:s19+s20] =	stream.linear.scatter @!p0 [tilespmem:s18], [sflag:$0x1], $0x80, $0x38;
	[tilespmem:$0x11080] =	vst v63  }
0x155: {  	s18 =	sor.u32 @!p0 $0x3400, s16;
	s19 =	sadd.s32 @!p0 $0x4F0, s17  }
0x156: {  	[hbm4b:s19+s20] =	stream.linear.scatter @!p0 [tilespmem:s18], [sflag:$0x1], $0x80, $0x38;
	[tilespmem:$0x11080] =	vst v63  }
0x157: {  	s18 =	sor.u32 @!p0 $0x3800, s16;
	s19 =	sadd.s32 @!p0 $0x570, s17  }
0x158: {  	[hbm4b:s19+s20] =	stream.linear.scatter @!p0 [tilespmem:s18], [sflag:$0x1], $0x80, $0x38;
	[tilespmem:$0x11080] =	vst v63  }
0x159: {  	s18 =	sor.u32 @!p0 $0x3C00, s16;
	s19 =	sadd.s32 @!p0 $0x5F0, s17  }
0x15a: {  	[hbm4b:s19+s20] =	stream.linear.scatter @!p0 [tilespmem:s18], [sflag:$0x1], $0x80, $0x38;
	[tilespmem:$0x11080] =	vst v63  }
0x15b: {  	s18 =	sadd.s32 @!p0 $0x4000, s16;
	s19 =	sadd.s32 @!p0 $0x670, s17  }
0x15c: {  	[hbm4b:s19+s20] =	stream.linear.scatter @!p0 [tilespmem:s18], [sflag:$0x1], $0x80, $0x38;
	[tilespmem:$0x11080] =	vst v63  }
0x15d: {  	s18 =	sadd.s32 @!p0 $0x4400, s16;
	s19 =	sadd.s32 @!p0 $0x6F0, s17  }
0x15e: {  	[hbm4b:s19+s20] =	stream.linear.scatter @!p0 [tilespmem:s18], [sflag:$0x1], $0x80, $0x38;
	[tilespmem:$0x11080] =	vst v63  }
0x15f: {  	s18 =	sadd.s32 @!p0 $0x4800, s16;
	s19 =	sadd.s32 @!p0 $0x770, s17  }
0x160: {  	[hbm4b:s19+s20] =	stream.linear.scatter @!p0 [tilespmem:s18], [sflag:$0x1], $0x80, $0x38;
	[tilespmem:$0x11080] =	vst v63  }
0x161: {  	s16 =	sadd.s32 @!p0 $0x4C00, s16;
	s17 =	sadd.s32 @!p0 $0x7F0, s17  }
0x162: {  	[hbm4b:s17+s20] =	stream.linear.scatter @!p0 [tilespmem:s16], [sflag:$0x1], $0x80, $0x38;
	[tilespmem:$0x11080] =	vst v63  }
.LBB2_6:
0x163: {  	(v2sf) =	vpush v3, $0x8  }
0x164: {  	(v2sf) =	vpush v3, $0x9  }
0x165: {  	(v2sf) =	vpush v3, $0xA  }
0x166: {  	(v2sf) =	vpush v3, $0xB;
	_ =	sdelay $0xb  }
0x167: {  	s19 =	spop (v2sf)  }
0x168: {  	s18 =	spop (v2sf)  }
0x169: {  	s17 =	spop (v2sf);
	s20 =	sand.u32 s18, s19  }
0x16a: {  	s16 =	spop (v2sf);
	s20 =	sand.u32 s17, s20  }
0x16b: {  	s20 =	sand.u32 s16, s20  }
0x16c: {  	p0 =	slt.s32 s20, $0x0  }
.Ltmp6:
0x16d: {  	_ = 	snop;
	(pc) =	sbr.rel @p0 .LBB2_8-.Ltmp6, $1  }
0x16e: {  	_ =	sdelay $0x3  }
0x16f: {  	p0 =	slt.s32 s19, $0x0  }
0x170: {  	s20 =	sshll.u32 @!p0 s19, $0xB;
	s19 =	sshll.u32 @!p0 s19, $0x7  }
0x171: {  	s20 =	sand.u32 @!p0 $0xFFFFC000, s20;
	s19 =	sand.u32 @!p0 $0x380, s19  }
0x172: {  	s19 =	sor.u32 @!p0 s19, s20;
	s20 =	sadd.s32 @!p0 s15, s8  }
0x173: {  	s23 =	simm.s32 @!p0 $0x0;
	s21 =	sor.u32 @!p0 $0x1000, s19;
	s22 =	sadd.s32 @!p0 $0x800, s20  }
0x174: {  	[hbm4b:s22+s23] =	stream.linear.scatter @!p0 [tilespmem:s21], [sflag:$0x1], $0x80, $0x38;
	[tilespmem:$0x11080] =	vst v63  }
0x175: {  	s21 =	sor.u32 @!p0 $0x1400, s19;
	s22 =	sadd.s32 @!p0 $0x880, s20  }
0x176: {  	[hbm4b:s22+s23] =	stream.linear.scatter @!p0 [tilespmem:s21], [sflag:$0x1], $0x80, $0x38;
	[tilespmem:$0x11080] =	vst v63  }
0x177: {  	s21 =	sor.u32 @!p0 $0x1800, s19;
	s22 =	sadd.s32 @!p0 $0x900, s20  }
0x178: {  	[hbm4b:s22+s23] =	stream.linear.scatter @!p0 [tilespmem:s21], [sflag:$0x1], $0x80, $0x38;
	[tilespmem:$0x11080] =	vst v63  }
0x179: {  	s21 =	sor.u32 @!p0 $0x1C00, s19;
	s22 =	sadd.s32 @!p0 $0x980, s20  }
0x17a: {  	[hbm4b:s22+s23] =	stream.linear.scatter @!p0 [tilespmem:s21], [sflag:$0x1], $0x80, $0x38;
	[tilespmem:$0x11080] =	vst v63  }
0x17b: {  	s21 =	sor.u32 @!p0 $0x2000, s19;
	s22 =	sadd.s32 @!p0 $0xA00, s20  }
0x17c: {  	[hbm4b:s22+s23] =	stream.linear.scatter @!p0 [tilespmem:s21], [sflag:$0x1], $0x80, $0x38;
	[tilespmem:$0x11080] =	vst v63  }
0x17d: {  	s21 =	sor.u32 @!p0 $0x2400, s19;
	s22 =	sadd.s32 @!p0 $0xA80, s20  }
0x17e: {  	[hbm4b:s22+s23] =	stream.linear.scatter @!p0 [tilespmem:s21], [sflag:$0x1], $0x80, $0x38;
	[tilespmem:$0x11080] =	vst v63  }
0x17f: {  	s21 =	sor.u32 @!p0 $0x2800, s19;
	s22 =	sadd.s32 @!p0 $0xB00, s20  }
0x180: {  	[hbm4b:s22+s23] =	stream.linear.scatter @!p0 [tilespmem:s21], [sflag:$0x1], $0x80, $0x38;
	[tilespmem:$0x11080] =	vst v63  }
0x181: {  	s21 =	sor.u32 @!p0 $0x2C00, s19;
	s22 =	sadd.s32 @!p0 $0xB80, s20  }
0x182: {  	[hbm4b:s22+s23] =	stream.linear.scatter @!p0 [tilespmem:s21], [sflag:$0x1], $0x80, $0x38;
	[tilespmem:$0x11080] =	vst v63  }
0x183: {  	s21 =	sor.u32 @!p0 $0x3000, s19;
	s22 =	sadd.s32 @!p0 $0xC00, s20  }
0x184: {  	[hbm4b:s22+s23] =	stream.linear.scatter @!p0 [tilespmem:s21], [sflag:$0x1], $0x80, $0x38;
	[tilespmem:$0x11080] =	vst v63  }
0x185: {  	s21 =	sor.u32 @!p0 $0x3400, s19;
	s22 =	sadd.s32 @!p0 $0xC80, s20  }
0x186: {  	[hbm4b:s22+s23] =	stream.linear.scatter @!p0 [tilespmem:s21], [sflag:$0x1], $0x80, $0x38;
	[tilespmem:$0x11080] =	vst v63  }
0x187: {  	s21 =	sor.u32 @!p0 $0x3800, s19;
	s22 =	sadd.s32 @!p0 $0xD00, s20  }
0x188: {  	[hbm4b:s22+s23] =	stream.linear.scatter @!p0 [tilespmem:s21], [sflag:$0x1], $0x80, $0x38;
	[tilespmem:$0x11080] =	vst v63  }
0x189: {  	s21 =	sor.u32 @!p0 $0x3C00, s19;
	s22 =	sadd.s32 @!p0 $0xD80, s20  }
0x18a: {  	[hbm4b:s22+s23] =	stream.linear.scatter @!p0 [tilespmem:s21], [sflag:$0x1], $0x80, $0x38;
	[tilespmem:$0x11080] =	vst v63  }
0x18b: {  	s21 =	sadd.s32 @!p0 $0x4000, s19;
	s22 =	sadd.s32 @!p0 $0xE00, s20  }
0x18c: {  	[hbm4b:s22+s23] =	stream.linear.scatter @!p0 [tilespmem:s21], [sflag:$0x1], $0x80, $0x38;
	[tilespmem:$0x11080] =	vst v63  }
0x18d: {  	s21 =	sadd.s32 @!p0 $0x4400, s19;
	s22 =	sadd.s32 @!p0 $0xE80, s20  }
0x18e: {  	[hbm4b:s22+s23] =	stream.linear.scatter @!p0 [tilespmem:s21], [sflag:$0x1], $0x80, $0x38;
	[tilespmem:$0x11080] =	vst v63  }
0x18f: {  	s21 =	sadd.s32 @!p0 $0x4800, s19;
	s22 =	sadd.s32 @!p0 $0xF00, s20  }
0x190: {  	[hbm4b:s22+s23] =	stream.linear.scatter @!p0 [tilespmem:s21], [sflag:$0x1], $0x80, $0x38;
	[tilespmem:$0x11080] =	vst v63  }
0x191: {  	s19 =	sadd.s32 @!p0 $0x4C00, s19;
	s20 =	sadd.s32 @!p0 $0xF80, s20  }
0x192: {  	[hbm4b:s20+s23] =	stream.linear.scatter @!p0 [tilespmem:s19], [sflag:$0x1], $0x80, $0x38;
	[tilespmem:$0x11080] =	vst v63  }
0x193: {  	p0 =	slt.s32 s18, $0x0  }
0x194: {  	s19 =	sshll.u32 @!p0 s18, $0xB;
	s18 =	sshll.u32 @!p0 s18, $0x7  }
0x195: {  	s19 =	sand.u32 @!p0 $0xFFFFC000, s19;
	s18 =	sand.u32 @!p0 $0x380, s18  }
0x196: {  	s18 =	sor.u32 @!p0 s18, s19;
	s19 =	sadd.s32 @!p0 s15, s8  }
0x197: {  	s22 =	simm.s32 @!p0 $0x0;
	s20 =	sor.u32 @!p0 $0x1000, s18;
	s21 =	sadd.s32 @!p0 $0x810, s19  }
0x198: {  	[hbm4b:s21+s22] =	stream.linear.scatter @!p0 [tilespmem:s20], [sflag:$0x1], $0x80, $0x38;
	[tilespmem:$0x11080] =	vst v63  }
0x199: {  	s20 =	sor.u32 @!p0 $0x1400, s18;
	s21 =	sadd.s32 @!p0 $0x890, s19  }
0x19a: {  	[hbm4b:s21+s22] =	stream.linear.scatter @!p0 [tilespmem:s20], [sflag:$0x1], $0x80, $0x38;
	[tilespmem:$0x11080] =	vst v63  }
0x19b: {  	s20 =	sor.u32 @!p0 $0x1800, s18;
	s21 =	sadd.s32 @!p0 $0x910, s19  }
0x19c: {  	[hbm4b:s21+s22] =	stream.linear.scatter @!p0 [tilespmem:s20], [sflag:$0x1], $0x80, $0x38;
	[tilespmem:$0x11080] =	vst v63  }
0x19d: {  	s20 =	sor.u32 @!p0 $0x1C00, s18;
	s21 =	sadd.s32 @!p0 $0x990, s19  }
0x19e: {  	[hbm4b:s21+s22] =	stream.linear.scatter @!p0 [tilespmem:s20], [sflag:$0x1], $0x80, $0x38;
	[tilespmem:$0x11080] =	vst v63  }
0x19f: {  	s20 =	sor.u32 @!p0 $0x2000, s18;
	s21 =	sadd.s32 @!p0 $0xA10, s19  }
0x1a0: {  	[hbm4b:s21+s22] =	stream.linear.scatter @!p0 [tilespmem:s20], [sflag:$0x1], $0x80, $0x38;
	[tilespmem:$0x11080] =	vst v63  }
0x1a1: {  	s20 =	sor.u32 @!p0 $0x2400, s18;
	s21 =	sadd.s32 @!p0 $0xA90, s19  }
0x1a2: {  	[hbm4b:s21+s22] =	stream.linear.scatter @!p0 [tilespmem:s20], [sflag:$0x1], $0x80, $0x38;
	[tilespmem:$0x11080] =	vst v63  }
0x1a3: {  	s20 =	sor.u32 @!p0 $0x2800, s18;
	s21 =	sadd.s32 @!p0 $0xB10, s19  }
0x1a4: {  	[hbm4b:s21+s22] =	stream.linear.scatter @!p0 [tilespmem:s20], [sflag:$0x1], $0x80, $0x38;
	[tilespmem:$0x11080] =	vst v63  }
0x1a5: {  	s20 =	sor.u32 @!p0 $0x2C00, s18;
	s21 =	sadd.s32 @!p0 $0xB90, s19  }
0x1a6: {  	[hbm4b:s21+s22] =	stream.linear.scatter @!p0 [tilespmem:s20], [sflag:$0x1], $0x80, $0x38;
	[tilespmem:$0x11080] =	vst v63  }
0x1a7: {  	s20 =	sor.u32 @!p0 $0x3000, s18;
	s21 =	sadd.s32 @!p0 $0xC10, s19  }
0x1a8: {  	[hbm4b:s21+s22] =	stream.linear.scatter @!p0 [tilespmem:s20], [sflag:$0x1], $0x80, $0x38;
	[tilespmem:$0x11080] =	vst v63  }
0x1a9: {  	s20 =	sor.u32 @!p0 $0x3400, s18;
	s21 =	sadd.s32 @!p0 $0xC90, s19  }
0x1aa: {  	[hbm4b:s21+s22] =	stream.linear.scatter @!p0 [tilespmem:s20], [sflag:$0x1], $0x80, $0x38;
	[tilespmem:$0x11080] =	vst v63  }
0x1ab: {  	s20 =	sor.u32 @!p0 $0x3800, s18;
	s21 =	sadd.s32 @!p0 $0xD10, s19  }
0x1ac: {  	[hbm4b:s21+s22] =	stream.linear.scatter @!p0 [tilespmem:s20], [sflag:$0x1], $0x80, $0x38;
	[tilespmem:$0x11080] =	vst v63  }
0x1ad: {  	s20 =	sor.u32 @!p0 $0x3C00, s18;
	s21 =	sadd.s32 @!p0 $0xD90, s19  }
0x1ae: {  	[hbm4b:s21+s22] =	stream.linear.scatter @!p0 [tilespmem:s20], [sflag:$0x1], $0x80, $0x38;
	[tilespmem:$0x11080] =	vst v63  }
0x1af: {  	s20 =	sadd.s32 @!p0 $0x4000, s18;
	s21 =	sadd.s32 @!p0 $0xE10, s19  }
0x1b0: {  	[hbm4b:s21+s22] =	stream.linear.scatter @!p0 [tilespmem:s20], [sflag:$0x1], $0x80, $0x38;
	[tilespmem:$0x11080] =	vst v63  }
0x1b1: {  	s20 =	sadd.s32 @!p0 $0x4400, s18;
	s21 =	sadd.s32 @!p0 $0xE90, s19  }
0x1b2: {  	[hbm4b:s21+s22] =	stream.linear.scatter @!p0 [tilespmem:s20], [sflag:$0x1], $0x80, $0x38;
	[tilespmem:$0x11080] =	vst v63  }
0x1b3: {  	s20 =	sadd.s32 @!p0 $0x4800, s18;
	s21 =	sadd.s32 @!p0 $0xF10, s19  }
0x1b4: {  	[hbm4b:s21+s22] =	stream.linear.scatter @!p0 [tilespmem:s20], [sflag:$0x1], $0x80, $0x38;
	[tilespmem:$0x11080] =	vst v63  }
0x1b5: {  	s18 =	sadd.s32 @!p0 $0x4C00, s18;
	s19 =	sadd.s32 @!p0 $0xF90, s19  }
0x1b6: {  	[hbm4b:s19+s22] =	stream.linear.scatter @!p0 [tilespmem:s18], [sflag:$0x1], $0x80, $0x38;
	[tilespmem:$0x11080] =	vst v63  }
0x1b7: {  	p0 =	slt.s32 s17, $0x0  }
0x1b8: {  	s18 =	sshll.u32 @!p0 s17, $0xB;
	s17 =	sshll.u32 @!p0 s17, $0x7  }
0x1b9: {  	s18 =	sand.u32 @!p0 $0xFFFFC000, s18;
	s17 =	sand.u32 @!p0 $0x380, s17  }
0x1ba: {  	s17 =	sor.u32 @!p0 s17, s18;
	s18 =	sadd.s32 @!p0 s15, s8  }
0x1bb: {  	s21 =	simm.s32 @!p0 $0x0;
	s19 =	sor.u32 @!p0 $0x1000, s17;
	s20 =	sadd.s32 @!p0 $0x820, s18  }
0x1bc: {  	[hbm4b:s20+s21] =	stream.linear.scatter @!p0 [tilespmem:s19], [sflag:$0x1], $0x80, $0x38;
	[tilespmem:$0x11080] =	vst v63  }
0x1bd: {  	s19 =	sor.u32 @!p0 $0x1400, s17;
	s20 =	sadd.s32 @!p0 $0x8A0, s18  }
0x1be: {  	[hbm4b:s20+s21] =	stream.linear.scatter @!p0 [tilespmem:s19], [sflag:$0x1], $0x80, $0x38;
	[tilespmem:$0x11080] =	vst v63  }
0x1bf: {  	s19 =	sor.u32 @!p0 $0x1800, s17;
	s20 =	sadd.s32 @!p0 $0x920, s18  }
0x1c0: {  	[hbm4b:s20+s21] =	stream.linear.scatter @!p0 [tilespmem:s19], [sflag:$0x1], $0x80, $0x38;
	[tilespmem:$0x11080] =	vst v63  }
0x1c1: {  	s19 =	sor.u32 @!p0 $0x1C00, s17;
	s20 =	sadd.s32 @!p0 $0x9A0, s18  }
0x1c2: {  	[hbm4b:s20+s21] =	stream.linear.scatter @!p0 [tilespmem:s19], [sflag:$0x1], $0x80, $0x38;
	[tilespmem:$0x11080] =	vst v63  }
0x1c3: {  	s19 =	sor.u32 @!p0 $0x2000, s17;
	s20 =	sadd.s32 @!p0 $0xA20, s18  }
0x1c4: {  	[hbm4b:s20+s21] =	stream.linear.scatter @!p0 [tilespmem:s19], [sflag:$0x1], $0x80, $0x38;
	[tilespmem:$0x11080] =	vst v63  }
0x1c5: {  	s19 =	sor.u32 @!p0 $0x2400, s17;
	s20 =	sadd.s32 @!p0 $0xAA0, s18  }
0x1c6: {  	[hbm4b:s20+s21] =	stream.linear.scatter @!p0 [tilespmem:s19], [sflag:$0x1], $0x80, $0x38;
	[tilespmem:$0x11080] =	vst v63  }
0x1c7: {  	s19 =	sor.u32 @!p0 $0x2800, s17;
	s20 =	sadd.s32 @!p0 $0xB20, s18  }
0x1c8: {  	[hbm4b:s20+s21] =	stream.linear.scatter @!p0 [tilespmem:s19], [sflag:$0x1], $0x80, $0x38;
	[tilespmem:$0x11080] =	vst v63  }
0x1c9: {  	s19 =	sor.u32 @!p0 $0x2C00, s17;
	s20 =	sadd.s32 @!p0 $0xBA0, s18  }
0x1ca: {  	[hbm4b:s20+s21] =	stream.linear.scatter @!p0 [tilespmem:s19], [sflag:$0x1], $0x80, $0x38;
	[tilespmem:$0x11080] =	vst v63  }
0x1cb: {  	s19 =	sor.u32 @!p0 $0x3000, s17;
	s20 =	sadd.s32 @!p0 $0xC20, s18  }
0x1cc: {  	[hbm4b:s20+s21] =	stream.linear.scatter @!p0 [tilespmem:s19], [sflag:$0x1], $0x80, $0x38;
	[tilespmem:$0x11080] =	vst v63  }
0x1cd: {  	s19 =	sor.u32 @!p0 $0x3400, s17;
	s20 =	sadd.s32 @!p0 $0xCA0, s18  }
0x1ce: {  	[hbm4b:s20+s21] =	stream.linear.scatter @!p0 [tilespmem:s19], [sflag:$0x1], $0x80, $0x38;
	[tilespmem:$0x11080] =	vst v63  }
0x1cf: {  	s19 =	sor.u32 @!p0 $0x3800, s17;
	s20 =	sadd.s32 @!p0 $0xD20, s18  }
0x1d0: {  	[hbm4b:s20+s21] =	stream.linear.scatter @!p0 [tilespmem:s19], [sflag:$0x1], $0x80, $0x38;
	[tilespmem:$0x11080] =	vst v63  }
0x1d1: {  	s19 =	sor.u32 @!p0 $0x3C00, s17;
	s20 =	sadd.s32 @!p0 $0xDA0, s18  }
0x1d2: {  	[hbm4b:s20+s21] =	stream.linear.scatter @!p0 [tilespmem:s19], [sflag:$0x1], $0x80, $0x38;
	[tilespmem:$0x11080] =	vst v63  }
0x1d3: {  	s19 =	sadd.s32 @!p0 $0x4000, s17;
	s20 =	sadd.s32 @!p0 $0xE20, s18  }
0x1d4: {  	[hbm4b:s20+s21] =	stream.linear.scatter @!p0 [tilespmem:s19], [sflag:$0x1], $0x80, $0x38;
	[tilespmem:$0x11080] =	vst v63  }
0x1d5: {  	s19 =	sadd.s32 @!p0 $0x4400, s17;
	s20 =	sadd.s32 @!p0 $0xEA0, s18  }
0x1d6: {  	[hbm4b:s20+s21] =	stream.linear.scatter @!p0 [tilespmem:s19], [sflag:$0x1], $0x80, $0x38;
	[tilespmem:$0x11080] =	vst v63  }
0x1d7: {  	s19 =	sadd.s32 @!p0 $0x4800, s17;
	s20 =	sadd.s32 @!p0 $0xF20, s18  }
0x1d8: {  	[hbm4b:s20+s21] =	stream.linear.scatter @!p0 [tilespmem:s19], [sflag:$0x1], $0x80, $0x38;
	[tilespmem:$0x11080] =	vst v63  }
0x1d9: {  	s17 =	sadd.s32 @!p0 $0x4C00, s17;
	s18 =	sadd.s32 @!p0 $0xFA0, s18  }
0x1da: {  	[hbm4b:s18+s21] =	stream.linear.scatter @!p0 [tilespmem:s17], [sflag:$0x1], $0x80, $0x38;
	[tilespmem:$0x11080] =	vst v63  }
0x1db: {  	p0 =	slt.s32 s16, $0x0  }
0x1dc: {  	s17 =	sshll.u32 @!p0 s16, $0xB;
	s16 =	sshll.u32 @!p0 s16, $0x7  }
0x1dd: {  	s17 =	sand.u32 @!p0 $0xFFFFC000, s17;
	s16 =	sand.u32 @!p0 $0x380, s16  }
0x1de: {  	s16 =	sor.u32 @!p0 s16, s17;
	s17 =	sadd.s32 @!p0 s15, s8  }
0x1df: {  	s20 =	simm.s32 @!p0 $0x0;
	s18 =	sor.u32 @!p0 $0x1000, s16;
	s19 =	sadd.s32 @!p0 $0x830, s17  }
0x1e0: {  	[hbm4b:s19+s20] =	stream.linear.scatter @!p0 [tilespmem:s18], [sflag:$0x1], $0x80, $0x38;
	[tilespmem:$0x11080] =	vst v63  }
0x1e1: {  	s18 =	sor.u32 @!p0 $0x1400, s16;
	s19 =	sadd.s32 @!p0 $0x8B0, s17  }
0x1e2: {  	[hbm4b:s19+s20] =	stream.linear.scatter @!p0 [tilespmem:s18], [sflag:$0x1], $0x80, $0x38;
	[tilespmem:$0x11080] =	vst v63  }
0x1e3: {  	s18 =	sor.u32 @!p0 $0x1800, s16;
	s19 =	sadd.s32 @!p0 $0x930, s17  }
0x1e4: {  	[hbm4b:s19+s20] =	stream.linear.scatter @!p0 [tilespmem:s18], [sflag:$0x1], $0x80, $0x38;
	[tilespmem:$0x11080] =	vst v63  }
0x1e5: {  	s18 =	sor.u32 @!p0 $0x1C00, s16;
	s19 =	sadd.s32 @!p0 $0x9B0, s17  }
0x1e6: {  	[hbm4b:s19+s20] =	stream.linear.scatter @!p0 [tilespmem:s18], [sflag:$0x1], $0x80, $0x38;
	[tilespmem:$0x11080] =	vst v63  }
0x1e7: {  	s18 =	sor.u32 @!p0 $0x2000, s16;
	s19 =	sadd.s32 @!p0 $0xA30, s17  }
0x1e8: {  	[hbm4b:s19+s20] =	stream.linear.scatter @!p0 [tilespmem:s18], [sflag:$0x1], $0x80, $0x38;
	[tilespmem:$0x11080] =	vst v63  }
0x1e9: {  	s18 =	sor.u32 @!p0 $0x2400, s16;
	s19 =	sadd.s32 @!p0 $0xAB0, s17  }
0x1ea: {  	[hbm4b:s19+s20] =	stream.linear.scatter @!p0 [tilespmem:s18], [sflag:$0x1], $0x80, $0x38;
	[tilespmem:$0x11080] =	vst v63  }
0x1eb: {  	s18 =	sor.u32 @!p0 $0x2800, s16;
	s19 =	sadd.s32 @!p0 $0xB30, s17  }
0x1ec: {  	[hbm4b:s19+s20] =	stream.linear.scatter @!p0 [tilespmem:s18], [sflag:$0x1], $0x80, $0x38;
	[tilespmem:$0x11080] =	vst v63  }
0x1ed: {  	s18 =	sor.u32 @!p0 $0x2C00, s16;
	s19 =	sadd.s32 @!p0 $0xBB0, s17  }
0x1ee: {  	[hbm4b:s19+s20] =	stream.linear.scatter @!p0 [tilespmem:s18], [sflag:$0x1], $0x80, $0x38;
	[tilespmem:$0x11080] =	vst v63  }
0x1ef: {  	s18 =	sor.u32 @!p0 $0x3000, s16;
	s19 =	sadd.s32 @!p0 $0xC30, s17  }
0x1f0: {  	[hbm4b:s19+s20] =	stream.linear.scatter @!p0 [tilespmem:s18], [sflag:$0x1], $0x80, $0x38;
	[tilespmem:$0x11080] =	vst v63  }
0x1f1: {  	s18 =	sor.u32 @!p0 $0x3400, s16;
	s19 =	sadd.s32 @!p0 $0xCB0, s17  }
0x1f2: {  	[hbm4b:s19+s20] =	stream.linear.scatter @!p0 [tilespmem:s18], [sflag:$0x1], $0x80, $0x38;
	[tilespmem:$0x11080] =	vst v63  }
0x1f3: {  	s18 =	sor.u32 @!p0 $0x3800, s16;
	s19 =	sadd.s32 @!p0 $0xD30, s17  }
0x1f4: {  	[hbm4b:s19+s20] =	stream.linear.scatter @!p0 [tilespmem:s18], [sflag:$0x1], $0x80, $0x38;
	[tilespmem:$0x11080] =	vst v63  }
0x1f5: {  	s18 =	sor.u32 @!p0 $0x3C00, s16;
	s19 =	sadd.s32 @!p0 $0xDB0, s17  }
0x1f6: {  	[hbm4b:s19+s20] =	stream.linear.scatter @!p0 [tilespmem:s18], [sflag:$0x1], $0x80, $0x38;
	[tilespmem:$0x11080] =	vst v63  }
0x1f7: {  	s18 =	sadd.s32 @!p0 $0x4000, s16;
	s19 =	sadd.s32 @!p0 $0xE30, s17  }
0x1f8: {  	[hbm4b:s19+s20] =	stream.linear.scatter @!p0 [tilespmem:s18], [sflag:$0x1], $0x80, $0x38;
	[tilespmem:$0x11080] =	vst v63  }
0x1f9: {  	s18 =	sadd.s32 @!p0 $0x4400, s16;
	s19 =	sadd.s32 @!p0 $0xEB0, s17  }
0x1fa: {  	[hbm4b:s19+s20] =	stream.linear.scatter @!p0 [tilespmem:s18], [sflag:$0x1], $0x80, $0x38;
	[tilespmem:$0x11080] =	vst v63  }
0x1fb: {  	s18 =	sadd.s32 @!p0 $0x4800, s16;
	s19 =	sadd.s32 @!p0 $0xF30, s17  }
0x1fc: {  	[hbm4b:s19+s20] =	stream.linear.scatter @!p0 [tilespmem:s18], [sflag:$0x1], $0x80, $0x38;
	[tilespmem:$0x11080] =	vst v63  }
0x1fd: {  	s16 =	sadd.s32 @!p0 $0x4C00, s16;
	s17 =	sadd.s32 @!p0 $0xFB0, s17  }
0x1fe: {  	[hbm4b:s17+s20] =	stream.linear.scatter @!p0 [tilespmem:s16], [sflag:$0x1], $0x80, $0x38;
	[tilespmem:$0x11080] =	vst v63  }
.LBB2_8:
0x1ff: {  	(v2sf) =	vpush v3, $0xC  }
0x200: {  	(v2sf) =	vpush v3, $0xD  }
0x201: {  	(v2sf) =	vpush v3, $0xE  }
0x202: {  	(v2sf) =	vpush v3, $0xF;
	_ =	sdelay $0xb  }
0x203: {  	s19 =	spop (v2sf)  }
0x204: {  	s18 =	spop (v2sf)  }
0x205: {  	s17 =	spop (v2sf);
	s20 =	sand.u32 s18, s19  }
0x206: {  	s16 =	spop (v2sf);
	s20 =	sand.u32 s17, s20  }
0x207: {  	s20 =	sand.u32 s16, s20  }
0x208: {  	p0 =	slt.s32 s20, $0x0  }
.Ltmp7:
0x209: {  	_ = 	snop;
	(pc) =	sbr.rel @p0 .LBB2_10-.Ltmp7, $1  }
0x20a: {  	_ =	sdelay $0x3  }
0x20b: {  	p0 =	slt.s32 s19, $0x0  }
0x20c: {  	s20 =	sshll.u32 @!p0 s19, $0xB;
	s19 =	sshll.u32 @!p0 s19, $0x7  }
0x20d: {  	s20 =	sand.u32 @!p0 $0xFFFFC000, s20;
	s19 =	sand.u32 @!p0 $0x380, s19  }
0x20e: {  	s19 =	sor.u32 @!p0 s19, s20;
	s20 =	sadd.s32 @!p0 s15, s8  }
0x20f: {  	s23 =	simm.s32 @!p0 $0x0;
	s21 =	sor.u32 @!p0 $0x1000, s19;
	s22 =	sadd.s32 @!p0 $0x840, s20  }
0x210: {  	[hbm4b:s22+s23] =	stream.linear.scatter @!p0 [tilespmem:s21], [sflag:$0x1], $0x80, $0x38;
	[tilespmem:$0x11080] =	vst v63  }
0x211: {  	s21 =	sor.u32 @!p0 $0x1400, s19;
	s22 =	sadd.s32 @!p0 $0x8C0, s20  }
0x212: {  	[hbm4b:s22+s23] =	stream.linear.scatter @!p0 [tilespmem:s21], [sflag:$0x1], $0x80, $0x38;
	[tilespmem:$0x11080] =	vst v63  }
0x213: {  	s21 =	sor.u32 @!p0 $0x1800, s19;
	s22 =	sadd.s32 @!p0 $0x940, s20  }
0x214: {  	[hbm4b:s22+s23] =	stream.linear.scatter @!p0 [tilespmem:s21], [sflag:$0x1], $0x80, $0x38;
	[tilespmem:$0x11080] =	vst v63  }
0x215: {  	s21 =	sor.u32 @!p0 $0x1C00, s19;
	s22 =	sadd.s32 @!p0 $0x9C0, s20  }
0x216: {  	[hbm4b:s22+s23] =	stream.linear.scatter @!p0 [tilespmem:s21], [sflag:$0x1], $0x80, $0x38;
	[tilespmem:$0x11080] =	vst v63  }
0x217: {  	s21 =	sor.u32 @!p0 $0x2000, s19;
	s22 =	sadd.s32 @!p0 $0xA40, s20  }
0x218: {  	[hbm4b:s22+s23] =	stream.linear.scatter @!p0 [tilespmem:s21], [sflag:$0x1], $0x80, $0x38;
	[tilespmem:$0x11080] =	vst v63  }
0x219: {  	s21 =	sor.u32 @!p0 $0x2400, s19;
	s22 =	sadd.s32 @!p0 $0xAC0, s20  }
0x21a: {  	[hbm4b:s22+s23] =	stream.linear.scatter @!p0 [tilespmem:s21], [sflag:$0x1], $0x80, $0x38;
	[tilespmem:$0x11080] =	vst v63  }
0x21b: {  	s21 =	sor.u32 @!p0 $0x2800, s19;
	s22 =	sadd.s32 @!p0 $0xB40, s20  }
0x21c: {  	[hbm4b:s22+s23] =	stream.linear.scatter @!p0 [tilespmem:s21], [sflag:$0x1], $0x80, $0x38;
	[tilespmem:$0x11080] =	vst v63  }
0x21d: {  	s21 =	sor.u32 @!p0 $0x2C00, s19;
	s22 =	sadd.s32 @!p0 $0xBC0, s20  }
0x21e: {  	[hbm4b:s22+s23] =	stream.linear.scatter @!p0 [tilespmem:s21], [sflag:$0x1], $0x80, $0x38;
	[tilespmem:$0x11080] =	vst v63  }
0x21f: {  	s21 =	sor.u32 @!p0 $0x3000, s19;
	s22 =	sadd.s32 @!p0 $0xC40, s20  }
0x220: {  	[hbm4b:s22+s23] =	stream.linear.scatter @!p0 [tilespmem:s21], [sflag:$0x1], $0x80, $0x38;
	[tilespmem:$0x11080] =	vst v63  }
0x221: {  	s21 =	sor.u32 @!p0 $0x3400, s19;
	s22 =	sadd.s32 @!p0 $0xCC0, s20  }
0x222: {  	[hbm4b:s22+s23] =	stream.linear.scatter @!p0 [tilespmem:s21], [sflag:$0x1], $0x80, $0x38;
	[tilespmem:$0x11080] =	vst v63  }
0x223: {  	s21 =	sor.u32 @!p0 $0x3800, s19;
	s22 =	sadd.s32 @!p0 $0xD40, s20  }
0x224: {  	[hbm4b:s22+s23] =	stream.linear.scatter @!p0 [tilespmem:s21], [sflag:$0x1], $0x80, $0x38;
	[tilespmem:$0x11080] =	vst v63  }
0x225: {  	s21 =	sor.u32 @!p0 $0x3C00, s19;
	s22 =	sadd.s32 @!p0 $0xDC0, s20  }
0x226: {  	[hbm4b:s22+s23] =	stream.linear.scatter @!p0 [tilespmem:s21], [sflag:$0x1], $0x80, $0x38;
	[tilespmem:$0x11080] =	vst v63  }
0x227: {  	s21 =	sadd.s32 @!p0 $0x4000, s19;
	s22 =	sadd.s32 @!p0 $0xE40, s20  }
0x228: {  	[hbm4b:s22+s23] =	stream.linear.scatter @!p0 [tilespmem:s21], [sflag:$0x1], $0x80, $0x38;
	[tilespmem:$0x11080] =	vst v63  }
0x229: {  	s21 =	sadd.s32 @!p0 $0x4400, s19;
	s22 =	sadd.s32 @!p0 $0xEC0, s20  }
0x22a: {  	[hbm4b:s22+s23] =	stream.linear.scatter @!p0 [tilespmem:s21], [sflag:$0x1], $0x80, $0x38;
	[tilespmem:$0x11080] =	vst v63  }
0x22b: {  	s21 =	sadd.s32 @!p0 $0x4800, s19;
	s22 =	sadd.s32 @!p0 $0xF40, s20  }
0x22c: {  	[hbm4b:s22+s23] =	stream.linear.scatter @!p0 [tilespmem:s21], [sflag:$0x1], $0x80, $0x38;
	[tilespmem:$0x11080] =	vst v63  }
0x22d: {  	s19 =	sadd.s32 @!p0 $0x4C00, s19;
	s20 =	sadd.s32 @!p0 $0xFC0, s20  }
0x22e: {  	[hbm4b:s20+s23] =	stream.linear.scatter @!p0 [tilespmem:s19], [sflag:$0x1], $0x80, $0x38;
	[tilespmem:$0x11080] =	vst v63  }
0x22f: {  	p0 =	slt.s32 s18, $0x0  }
0x230: {  	s19 =	sshll.u32 @!p0 s18, $0xB;
	s18 =	sshll.u32 @!p0 s18, $0x7  }
0x231: {  	s19 =	sand.u32 @!p0 $0xFFFFC000, s19;
	s18 =	sand.u32 @!p0 $0x380, s18  }
0x232: {  	s18 =	sor.u32 @!p0 s18, s19;
	s19 =	sadd.s32 @!p0 s15, s8  }
0x233: {  	s22 =	simm.s32 @!p0 $0x0;
	s20 =	sor.u32 @!p0 $0x1000, s18;
	s21 =	sadd.s32 @!p0 $0x850, s19  }
0x234: {  	[hbm4b:s21+s22] =	stream.linear.scatter @!p0 [tilespmem:s20], [sflag:$0x1], $0x80, $0x38;
	[tilespmem:$0x11080] =	vst v63  }
0x235: {  	s20 =	sor.u32 @!p0 $0x1400, s18;
	s21 =	sadd.s32 @!p0 $0x8D0, s19  }
0x236: {  	[hbm4b:s21+s22] =	stream.linear.scatter @!p0 [tilespmem:s20], [sflag:$0x1], $0x80, $0x38;
	[tilespmem:$0x11080] =	vst v63  }
0x237: {  	s20 =	sor.u32 @!p0 $0x1800, s18;
	s21 =	sadd.s32 @!p0 $0x950, s19  }
0x238: {  	[hbm4b:s21+s22] =	stream.linear.scatter @!p0 [tilespmem:s20], [sflag:$0x1], $0x80, $0x38;
	[tilespmem:$0x11080] =	vst v63  }
0x239: {  	s20 =	sor.u32 @!p0 $0x1C00, s18;
	s21 =	sadd.s32 @!p0 $0x9D0, s19  }
0x23a: {  	[hbm4b:s21+s22] =	stream.linear.scatter @!p0 [tilespmem:s20], [sflag:$0x1], $0x80, $0x38;
	[tilespmem:$0x11080] =	vst v63  }
0x23b: {  	s20 =	sor.u32 @!p0 $0x2000, s18;
	s21 =	sadd.s32 @!p0 $0xA50, s19  }
0x23c: {  	[hbm4b:s21+s22] =	stream.linear.scatter @!p0 [tilespmem:s20], [sflag:$0x1], $0x80, $0x38;
	[tilespmem:$0x11080] =	vst v63  }
0x23d: {  	s20 =	sor.u32 @!p0 $0x2400, s18;
	s21 =	sadd.s32 @!p0 $0xAD0, s19  }
0x23e: {  	[hbm4b:s21+s22] =	stream.linear.scatter @!p0 [tilespmem:s20], [sflag:$0x1], $0x80, $0x38;
	[tilespmem:$0x11080] =	vst v63  }
0x23f: {  	s20 =	sor.u32 @!p0 $0x2800, s18;
	s21 =	sadd.s32 @!p0 $0xB50, s19  }
0x240: {  	[hbm4b:s21+s22] =	stream.linear.scatter @!p0 [tilespmem:s20], [sflag:$0x1], $0x80, $0x38;
	[tilespmem:$0x11080] =	vst v63  }
0x241: {  	s20 =	sor.u32 @!p0 $0x2C00, s18;
	s21 =	sadd.s32 @!p0 $0xBD0, s19  }
0x242: {  	[hbm4b:s21+s22] =	stream.linear.scatter @!p0 [tilespmem:s20], [sflag:$0x1], $0x80, $0x38;
	[tilespmem:$0x11080] =	vst v63  }
0x243: {  	s20 =	sor.u32 @!p0 $0x3000, s18;
	s21 =	sadd.s32 @!p0 $0xC50, s19  }
0x244: {  	[hbm4b:s21+s22] =	stream.linear.scatter @!p0 [tilespmem:s20], [sflag:$0x1], $0x80, $0x38;
	[tilespmem:$0x11080] =	vst v63  }
0x245: {  	s20 =	sor.u32 @!p0 $0x3400, s18;
	s21 =	sadd.s32 @!p0 $0xCD0, s19  }
0x246: {  	[hbm4b:s21+s22] =	stream.linear.scatter @!p0 [tilespmem:s20], [sflag:$0x1], $0x80, $0x38;
	[tilespmem:$0x11080] =	vst v63  }
0x247: {  	s20 =	sor.u32 @!p0 $0x3800, s18;
	s21 =	sadd.s32 @!p0 $0xD50, s19  }
0x248: {  	[hbm4b:s21+s22] =	stream.linear.scatter @!p0 [tilespmem:s20], [sflag:$0x1], $0x80, $0x38;
	[tilespmem:$0x11080] =	vst v63  }
0x249: {  	s20 =	sor.u32 @!p0 $0x3C00, s18;
	s21 =	sadd.s32 @!p0 $0xDD0, s19  }
0x24a: {  	[hbm4b:s21+s22] =	stream.linear.scatter @!p0 [tilespmem:s20], [sflag:$0x1], $0x80, $0x38;
	[tilespmem:$0x11080] =	vst v63  }
0x24b: {  	s20 =	sadd.s32 @!p0 $0x4000, s18;
	s21 =	sadd.s32 @!p0 $0xE50, s19  }
0x24c: {  	[hbm4b:s21+s22] =	stream.linear.scatter @!p0 [tilespmem:s20], [sflag:$0x1], $0x80, $0x38;
	[tilespmem:$0x11080] =	vst v63  }
0x24d: {  	s20 =	sadd.s32 @!p0 $0x4400, s18;
	s21 =	sadd.s32 @!p0 $0xED0, s19  }
0x24e: {  	[hbm4b:s21+s22] =	stream.linear.scatter @!p0 [tilespmem:s20], [sflag:$0x1], $0x80, $0x38;
	[tilespmem:$0x11080] =	vst v63  }
0x24f: {  	s20 =	sadd.s32 @!p0 $0x4800, s18;
	s21 =	sadd.s32 @!p0 $0xF50, s19  }
0x250: {  	[hbm4b:s21+s22] =	stream.linear.scatter @!p0 [tilespmem:s20], [sflag:$0x1], $0x80, $0x38;
	[tilespmem:$0x11080] =	vst v63  }
0x251: {  	s18 =	sadd.s32 @!p0 $0x4C00, s18;
	s19 =	sadd.s32 @!p0 $0xFD0, s19  }
0x252: {  	[hbm4b:s19+s22] =	stream.linear.scatter @!p0 [tilespmem:s18], [sflag:$0x1], $0x80, $0x38;
	[tilespmem:$0x11080] =	vst v63  }
0x253: {  	p0 =	slt.s32 s17, $0x0  }
0x254: {  	s18 =	sshll.u32 @!p0 s17, $0xB;
	s17 =	sshll.u32 @!p0 s17, $0x7  }
0x255: {  	s18 =	sand.u32 @!p0 $0xFFFFC000, s18;
	s17 =	sand.u32 @!p0 $0x380, s17  }
0x256: {  	s17 =	sor.u32 @!p0 s17, s18;
	s18 =	sadd.s32 @!p0 s15, s8  }
0x257: {  	s21 =	simm.s32 @!p0 $0x0;
	s19 =	sor.u32 @!p0 $0x1000, s17;
	s20 =	sadd.s32 @!p0 $0x860, s18  }
0x258: {  	[hbm4b:s20+s21] =	stream.linear.scatter @!p0 [tilespmem:s19], [sflag:$0x1], $0x80, $0x38;
	[tilespmem:$0x11080] =	vst v63  }
0x259: {  	s19 =	sor.u32 @!p0 $0x1400, s17;
	s20 =	sadd.s32 @!p0 $0x8E0, s18  }
0x25a: {  	[hbm4b:s20+s21] =	stream.linear.scatter @!p0 [tilespmem:s19], [sflag:$0x1], $0x80, $0x38;
	[tilespmem:$0x11080] =	vst v63  }
0x25b: {  	s19 =	sor.u32 @!p0 $0x1800, s17;
	s20 =	sadd.s32 @!p0 $0x960, s18  }
0x25c: {  	[hbm4b:s20+s21] =	stream.linear.scatter @!p0 [tilespmem:s19], [sflag:$0x1], $0x80, $0x38;
	[tilespmem:$0x11080] =	vst v63  }
0x25d: {  	s19 =	sor.u32 @!p0 $0x1C00, s17;
	s20 =	sadd.s32 @!p0 $0x9E0, s18  }
0x25e: {  	[hbm4b:s20+s21] =	stream.linear.scatter @!p0 [tilespmem:s19], [sflag:$0x1], $0x80, $0x38;
	[tilespmem:$0x11080] =	vst v63  }
0x25f: {  	s19 =	sor.u32 @!p0 $0x2000, s17;
	s20 =	sadd.s32 @!p0 $0xA60, s18  }
0x260: {  	[hbm4b:s20+s21] =	stream.linear.scatter @!p0 [tilespmem:s19], [sflag:$0x1], $0x80, $0x38;
	[tilespmem:$0x11080] =	vst v63  }
0x261: {  	s19 =	sor.u32 @!p0 $0x2400, s17;
	s20 =	sadd.s32 @!p0 $0xAE0, s18  }
0x262: {  	[hbm4b:s20+s21] =	stream.linear.scatter @!p0 [tilespmem:s19], [sflag:$0x1], $0x80, $0x38;
	[tilespmem:$0x11080] =	vst v63  }
0x263: {  	s19 =	sor.u32 @!p0 $0x2800, s17;
	s20 =	sadd.s32 @!p0 $0xB60, s18  }
0x264: {  	[hbm4b:s20+s21] =	stream.linear.scatter @!p0 [tilespmem:s19], [sflag:$0x1], $0x80, $0x38;
	[tilespmem:$0x11080] =	vst v63  }
0x265: {  	s19 =	sor.u32 @!p0 $0x2C00, s17;
	s20 =	sadd.s32 @!p0 $0xBE0, s18  }
0x266: {  	[hbm4b:s20+s21] =	stream.linear.scatter @!p0 [tilespmem:s19], [sflag:$0x1], $0x80, $0x38;
	[tilespmem:$0x11080] =	vst v63  }
0x267: {  	s19 =	sor.u32 @!p0 $0x3000, s17;
	s20 =	sadd.s32 @!p0 $0xC60, s18  }
0x268: {  	[hbm4b:s20+s21] =	stream.linear.scatter @!p0 [tilespmem:s19], [sflag:$0x1], $0x80, $0x38;
	[tilespmem:$0x11080] =	vst v63  }
0x269: {  	s19 =	sor.u32 @!p0 $0x3400, s17;
	s20 =	sadd.s32 @!p0 $0xCE0, s18  }
0x26a: {  	[hbm4b:s20+s21] =	stream.linear.scatter @!p0 [tilespmem:s19], [sflag:$0x1], $0x80, $0x38;
	[tilespmem:$0x11080] =	vst v63  }
0x26b: {  	s19 =	sor.u32 @!p0 $0x3800, s17;
	s20 =	sadd.s32 @!p0 $0xD60, s18  }
0x26c: {  	[hbm4b:s20+s21] =	stream.linear.scatter @!p0 [tilespmem:s19], [sflag:$0x1], $0x80, $0x38;
	[tilespmem:$0x11080] =	vst v63  }
0x26d: {  	s19 =	sor.u32 @!p0 $0x3C00, s17;
	s20 =	sadd.s32 @!p0 $0xDE0, s18  }
0x26e: {  	[hbm4b:s20+s21] =	stream.linear.scatter @!p0 [tilespmem:s19], [sflag:$0x1], $0x80, $0x38;
	[tilespmem:$0x11080] =	vst v63  }
0x26f: {  	s19 =	sadd.s32 @!p0 $0x4000, s17;
	s20 =	sadd.s32 @!p0 $0xE60, s18  }
0x270: {  	[hbm4b:s20+s21] =	stream.linear.scatter @!p0 [tilespmem:s19], [sflag:$0x1], $0x80, $0x38;
	[tilespmem:$0x11080] =	vst v63  }
0x271: {  	s19 =	sadd.s32 @!p0 $0x4400, s17;
	s20 =	sadd.s32 @!p0 $0xEE0, s18  }
0x272: {  	[hbm4b:s20+s21] =	stream.linear.scatter @!p0 [tilespmem:s19], [sflag:$0x1], $0x80, $0x38;
	[tilespmem:$0x11080] =	vst v63  }
0x273: {  	s19 =	sadd.s32 @!p0 $0x4800, s17;
	s20 =	sadd.s32 @!p0 $0xF60, s18  }
0x274: {  	[hbm4b:s20+s21] =	stream.linear.scatter @!p0 [tilespmem:s19], [sflag:$0x1], $0x80, $0x38;
	[tilespmem:$0x11080] =	vst v63  }
0x275: {  	s17 =	sadd.s32 @!p0 $0x4C00, s17;
	s18 =	sadd.s32 @!p0 $0xFE0, s18  }
0x276: {  	[hbm4b:s18+s21] =	stream.linear.scatter @!p0 [tilespmem:s17], [sflag:$0x1], $0x80, $0x38;
	[tilespmem:$0x11080] =	vst v63  }
0x277: {  	p0 =	slt.s32 s16, $0x0  }
0x278: {  	s17 =	sshll.u32 @!p0 s16, $0xB;
	s16 =	sshll.u32 @!p0 s16, $0x7  }
0x279: {  	s17 =	sand.u32 @!p0 $0xFFFFC000, s17;
	s16 =	sand.u32 @!p0 $0x380, s16  }
0x27a: {  	s16 =	sor.u32 @!p0 s16, s17;
	s17 =	sadd.s32 @!p0 s15, s8  }
0x27b: {  	s20 =	simm.s32 @!p0 $0x0;
	s18 =	sor.u32 @!p0 $0x1000, s16;
	s19 =	sadd.s32 @!p0 $0x870, s17  }
0x27c: {  	[hbm4b:s19+s20] =	stream.linear.scatter @!p0 [tilespmem:s18], [sflag:$0x1], $0x80, $0x38;
	[tilespmem:$0x11080] =	vst v63  }
0x27d: {  	s18 =	sor.u32 @!p0 $0x1400, s16;
	s19 =	sadd.s32 @!p0 $0x8F0, s17  }
0x27e: {  	[hbm4b:s19+s20] =	stream.linear.scatter @!p0 [tilespmem:s18], [sflag:$0x1], $0x80, $0x38;
	[tilespmem:$0x11080] =	vst v63  }
0x27f: {  	s18 =	sor.u32 @!p0 $0x1800, s16;
	s19 =	sadd.s32 @!p0 $0x970, s17  }
0x280: {  	[hbm4b:s19+s20] =	stream.linear.scatter @!p0 [tilespmem:s18], [sflag:$0x1], $0x80, $0x38;
	[tilespmem:$0x11080] =	vst v63  }
0x281: {  	s18 =	sor.u32 @!p0 $0x1C00, s16;
	s19 =	sadd.s32 @!p0 $0x9F0, s17  }
0x282: {  	[hbm4b:s19+s20] =	stream.linear.scatter @!p0 [tilespmem:s18], [sflag:$0x1], $0x80, $0x38;
	[tilespmem:$0x11080] =	vst v63  }
0x283: {  	s18 =	sor.u32 @!p0 $0x2000, s16;
	s19 =	sadd.s32 @!p0 $0xA70, s17  }
0x284: {  	[hbm4b:s19+s20] =	stream.linear.scatter @!p0 [tilespmem:s18], [sflag:$0x1], $0x80, $0x38;
	[tilespmem:$0x11080] =	vst v63  }
0x285: {  	s18 =	sor.u32 @!p0 $0x2400, s16;
	s19 =	sadd.s32 @!p0 $0xAF0, s17  }
0x286: {  	[hbm4b:s19+s20] =	stream.linear.scatter @!p0 [tilespmem:s18], [sflag:$0x1], $0x80, $0x38;
	[tilespmem:$0x11080] =	vst v63  }
0x287: {  	s18 =	sor.u32 @!p0 $0x2800, s16;
	s19 =	sadd.s32 @!p0 $0xB70, s17  }
0x288: {  	[hbm4b:s19+s20] =	stream.linear.scatter @!p0 [tilespmem:s18], [sflag:$0x1], $0x80, $0x38;
	[tilespmem:$0x11080] =	vst v63  }
0x289: {  	s18 =	sor.u32 @!p0 $0x2C00, s16;
	s19 =	sadd.s32 @!p0 $0xBF0, s17  }
0x28a: {  	[hbm4b:s19+s20] =	stream.linear.scatter @!p0 [tilespmem:s18], [sflag:$0x1], $0x80, $0x38;
	[tilespmem:$0x11080] =	vst v63  }
0x28b: {  	s18 =	sor.u32 @!p0 $0x3000, s16;
	s19 =	sadd.s32 @!p0 $0xC70, s17  }
0x28c: {  	[hbm4b:s19+s20] =	stream.linear.scatter @!p0 [tilespmem:s18], [sflag:$0x1], $0x80, $0x38;
	[tilespmem:$0x11080] =	vst v63  }
0x28d: {  	s18 =	sor.u32 @!p0 $0x3400, s16;
	s19 =	sadd.s32 @!p0 $0xCF0, s17  }
0x28e: {  	[hbm4b:s19+s20] =	stream.linear.scatter @!p0 [tilespmem:s18], [sflag:$0x1], $0x80, $0x38;
	[tilespmem:$0x11080] =	vst v63  }
0x28f: {  	s18 =	sor.u32 @!p0 $0x3800, s16;
	s19 =	sadd.s32 @!p0 $0xD70, s17  }
0x290: {  	[hbm4b:s19+s20] =	stream.linear.scatter @!p0 [tilespmem:s18], [sflag:$0x1], $0x80, $0x38;
	[tilespmem:$0x11080] =	vst v63  }
0x291: {  	s18 =	sor.u32 @!p0 $0x3C00, s16;
	s19 =	sadd.s32 @!p0 $0xDF0, s17  }
0x292: {  	[hbm4b:s19+s20] =	stream.linear.scatter @!p0 [tilespmem:s18], [sflag:$0x1], $0x80, $0x38;
	[tilespmem:$0x11080] =	vst v63  }
0x293: {  	s18 =	sadd.s32 @!p0 $0x4000, s16;
	s19 =	sadd.s32 @!p0 $0xE70, s17  }
0x294: {  	[hbm4b:s19+s20] =	stream.linear.scatter @!p0 [tilespmem:s18], [sflag:$0x1], $0x80, $0x38;
	[tilespmem:$0x11080] =	vst v63  }
0x295: {  	s18 =	sadd.s32 @!p0 $0x4400, s16;
	s19 =	sadd.s32 @!p0 $0xEF0, s17  }
0x296: {  	[hbm4b:s19+s20] =	stream.linear.scatter @!p0 [tilespmem:s18], [sflag:$0x1], $0x80, $0x38;
	[tilespmem:$0x11080] =	vst v63  }
.Ltmp8:
0x297: {  	_ = 	snop;
	(pc) =	sbr.rel .LBB2_10-.Ltmp8, $4  }
0x298: {  	s18 =	sadd.s32 @!p0 $0x4800, s16;
	s19 =	sadd.s32 @!p0 $0xF70, s17  }
0x299: {  	[hbm4b:s19+s20] =	stream.linear.scatter @!p0 [tilespmem:s18], [sflag:$0x1], $0x80, $0x38;
	[tilespmem:$0x11080] =	vst v63  }
0x29a: {  	s16 =	sadd.s32 @!p0 $0x4C00, s16;
	s17 =	sadd.s32 @!p0 $0xFF0, s17  }
0x29b: {  	[hbm4b:s17+s20] =	stream.linear.scatter @!p0 [tilespmem:s16], [sflag:$0x1], $0x80, $0x38;
	[tilespmem:$0x11080] =	vst v63  }
.LBB2_11:
0x29c: {  	(v2sf) =	vpush v2, $0x0;
	_ =	sdelay $0xe  }
0x29d: {  	s14 =	spop (v2sf)  }
0x29e: {  	p0 =	sgt.s32 s14, $0x0  }
.Ltmp9:
0x29f: {  	_ = 	snop;
	(pc) =	sbr.rel @!p0 .LBB2_15-.Ltmp9, $1  }
0x2a0: {  	_ =	sdelay $0x3  }
0x2a1: {  	p0 =	sne.s32 s14, $0x1  }
.Ltmp10:
0x2a2: {  	_ = 	snop;
	(pc) =	sbr.rel @!p0 .LBB2_14-.Ltmp10, $3  }
0x2a3: {  	_ =	sdelay $0x1  }
0x2a4: {  	_ =	swait.ge [sflag:s12], $0x800  }
0x2a5: {  	s14 =	sadd.s32 $0xFFFFFFFF, s14;
	[sflag:s12] =	ssyncset.done $0x0  }
.LBB2_13:
0x2a6: {  	p0 =	sne.s32 s14, $0x1;
	s14 =	sadd.s32 $0xFFFFFFFF, s14;
	[sflag:s12] =	ssyncadd.s32 $0xFFFFF800  }
.Ltmp11:
0x2a7: {  	(pc) =	sbr.rel @p0 .LBB2_13-.Ltmp11, $3  }
0x2a8: {  	_ =	sdelay $0x1  }
0x2a9: {  	_ =	swait.ge [sflag:s12], $0x800  }
0x2aa: {  	[sflag:s12] =	ssyncset.done $0x0  }
.Ltmp12:
0x2ab: {  	_ = 	snop;
	(pc) =	sbr.rel .LBB2_14-.Ltmp12, $1  }
0x2ac: {  	_ =	sdelay $0x3  }
.LBB2_16:
0x2ad: {  	_ =	sfence.sel $0x180000  }
0x2ae: {  	[bflag:$0x0] =	sbarrier.arrive $0xFFFF  }
0x2af: {  	p0 =	sne.s32 s1, $0x0;
	_ =	strace $0x90000047  }
0x2b0: {  	s0 =	sadd.s32 @!p0 $0x100000, s0;
	[bflag:$0x2] =	sbarrier.arrive $0xFFFF  }
0x2b1: {  	[sflag:s0] =	ssyncadd.tile.s32 @!p0 $0x1;
	_ =	shalt  }
.Lfunc_end2:
_tile_overlayer_lowered:
.L_overlay_start_2:
0x2b2: {  	(tag) =	ssettag $0x2  }
0x2b3: {  	s0 =	rddreg [dreg:$0x0];
	s2 =	stileid.u32  }
0x2b4: {  	s1 =	rddreg [dreg:$0x1];
	p0 =	sne.s32 s2, $0x0  }
0x2b5: {  	s3 =	rddreg [dreg:$0x2];
	[bflag:$0x3] =	sbarrier.arrive $0xFFFF;
	s2 =	simm.s32 @!p0 $0x1C02  }
0x2b6: {  	[timem:s3], [sflag:s2] =	dma.local @!p0 [hbm:s0], s1  }
0x2b7: {  	s0 =	simm.s32 @!p0 $0x2  }
0x2b8: {  	_ =	swait.ge @!p0 [sflag:s0], s1  }
0x2b9: {  	s1 =	ssub.s32 @!p0 $0x0, s1;
	[sflag:s0] =	ssyncset.done @!p0 $0x0  }
0x2ba: {  	[sflag:s0] =	ssyncadd.s32 @!p0 s1  }
0x2bb: {  	[bflag:$0x3] =	sbarrier.arrive $0xFFFF  }
0x2bc: {  	_ =	shalt  }

</sc_bundles>
